<compile_context>
chip_gen: v7x
topology: tpu7x:2x2x1
jax: 0.10.2.dev20260603
libtpu: 0.0.44.dev20260713+nightly
codegen_flags: <defaults>
</compile_context>

<pallas_src>
import functools

import jax
import jax.numpy as jnp
from jax import lax
from jax.experimental import pallas as pl
from jax.experimental.pallas import tpu as pltpu
from jax.experimental.pallas import tpu_sc as plsc

E = 160000
T = 640000
H = 256
INT = 64

NC = 2
NS = 16
CH = 128

BLK = 1600
BLKT = 3200


def _silu(v):
    return v / (1.0 + jnp.exp(-v))


def _mesh():
    return plsc.VectorSubcoreMesh(
        core_axis_name="c", subcore_axis_name="s", num_cores=NC, num_subcores=NS
    )


def _k1_body(x_ref, pbas_ref, Wp, Wkj, bkj, Wji, bji, Wdn, xji_ref, d_ref):
    x = x_ref[...]
    pb = _silu(jnp.dot(pbas_ref[...], Wp[...],
                       preferred_element_type=jnp.float32))
    xji = _silu(jnp.dot(x, Wji[...], preferred_element_type=jnp.float32)
                + bji[...])
    xkj = _silu(jnp.dot(x, Wkj[...], preferred_element_type=jnp.float32)
                + bkj[...]) * pb
    d_ref[...] = _silu(jnp.dot(xkj, Wdn[...],
                               preferred_element_type=jnp.float32))
    xji_ref[...] = xji


def _run_k1(x, pair_basis, W_pair, W_kj, b_kj, W_ji, b_ji, W_down):
    full = lambda shape: pl.BlockSpec(shape, lambda i: (0, 0))
    return pl.pallas_call(
        _k1_body,
        grid=(E // BLK,),
        in_specs=[
            pl.BlockSpec((BLK, H), lambda i: (i, 0)),
            pl.BlockSpec((BLK, 16), lambda i: (i, 0)),
            full((16, H)), full((H, H)), full((1, H)),
            full((H, H)), full((1, H)), full((H, INT)),
        ],
        out_specs=[
            pl.BlockSpec((BLK, H), lambda i: (i, 0)),
            pl.BlockSpec((BLK, INT), lambda i: (i, 0)),
        ],
        out_shape=[
            jax.ShapeDtypeStruct((E, H), jnp.float32),
            jax.ShapeDtypeStruct((E, INT), jnp.float32),
        ],
    )(x, pair_basis, W_pair, W_kj, b_kj.reshape(1, H), W_ji,
      b_ji.reshape(1, H), W_down)


def _k2_body(tbas_ref, Wt, tb_ref):
    tb_ref[...] = _silu(jnp.dot(tbas_ref[...], Wt[...],
                                preferred_element_type=jnp.float32))


def _run_k2(triplet_basis, W_trip):
    return pl.pallas_call(
        _k2_body,
        grid=(T // BLKT,),
        in_specs=[
            pl.BlockSpec((BLKT, 42), lambda i: (i, 0)),
            pl.BlockSpec((42, INT), lambda i: (0, 0)),
        ],
        out_specs=pl.BlockSpec((BLKT, INT), lambda i: (i, 0)),
        out_shape=jax.ShapeDtypeStruct((T, INT), jnp.float32),
    )(triplet_basis, W_trip)


NCHT = T // CH


def _scg_body(d_hbm, tb_hbm, kj_hbm, m_hbm, kjv, drows, trows):
    c = lax.axis_index("c")
    s = lax.axis_index("s")
    wid = s * NC + c

    def chunk(i, _):
        off = pl.multiple_of(i * CH, 8)
        pltpu.sync_copy(kj_hbm.at[pl.ds(off, CH)], kjv)
        pltpu.sync_copy(d_hbm.at[kjv], drows)
        pltpu.sync_copy(tb_hbm.at[pl.ds(off, CH)], trows)

        def mul_row(r, _):
            for k in range(INT // 16):
                sl = pl.ds(k * 16, 16)
                drows[r, sl] = drows[r, sl] * trows[r, sl]
            return 0
        lax.fori_loop(0, CH, mul_row, 0)
        pltpu.sync_copy(drows, m_hbm.at[pl.ds(off, CH)])
        return 0

    nit = (NCHT - wid + (NC * NS) - 1) // (NC * NS)

    def strided(j, _):
        return chunk(wid + j * (NC * NS), 0)
    lax.fori_loop(0, nit, strided, 0)


def _run_scg(d, tb, idx_kj):
    f = functools.partial(
        pl.kernel,
        out_type=jax.ShapeDtypeStruct((T, INT), jnp.float32),
        mesh=_mesh(),
        scratch_types=[
            pltpu.VMEM((CH,), jnp.int32),
            pltpu.VMEM((CH, INT), jnp.float32),
            pltpu.VMEM((CH, INT), jnp.float32),
        ],
        compiler_params=pltpu.CompilerParams(
            needs_layout_passes=False, use_tc_tiling_on_sc=False),
    )
    return f(_scg_body)(d, tb, idx_kj)


def _k3b_body(x_ref, xji_ref, seg_ref, Wup,
              W01, b01, W02, b02, W11, b11, W12, b12, W21, b21, W22, b22,
              out_ref):
    seg = seg_ref[...]
    u = _silu(jnp.dot(seg, Wup[...], preferred_element_type=jnp.float32))
    h = xji_ref[...] + u

    def res(h, W1, b1, W2, b2):
        t = _silu(jnp.dot(h, W1[...], preferred_element_type=jnp.float32)
                  + b1[...])
        return h + _silu(jnp.dot(t, W2[...],
                                 preferred_element_type=jnp.float32) + b2[...])

    h = res(h, W01, b01, W02, b02)
    h = h + x_ref[...]
    h = res(h, W11, b11, W12, b12)
    h = res(h, W21, b21, W22, b22)
    out_ref[...] = h


def _run_k3b(x, xji, seg, W_up, rw):
    full = lambda shape: pl.BlockSpec(shape, lambda i: (0, 0))
    wspecs = []
    wargs = []
    for (W1, b1, W2, b2) in rw:
        wspecs += [full((H, H)), full((1, H)), full((H, H)), full((1, H))]
        wargs += [W1, b1.reshape(1, H), W2, b2.reshape(1, H)]
    return pl.pallas_call(
        _k3b_body,
        grid=(E // BLK,),
        in_specs=[
            pl.BlockSpec((BLK, H), lambda i: (i, 0)),
            pl.BlockSpec((BLK, H), lambda i: (i, 0)),
            pl.BlockSpec((BLK, INT), lambda i: (i, 0)),
            full((INT, H)),
        ] + wspecs,
        out_specs=pl.BlockSpec((BLK, H), lambda i: (i, 0)),
        out_shape=jax.ShapeDtypeStruct((E, H), jnp.float32),
    )(x, xji, seg, W_up, *wargs)


def kernel(x, pair_basis, triplet_basis, idx_kj, idx_ji,
           W_pair, W_trip, W_kj, b_kj, W_ji, b_ji, W_down, W_up,
           res0_W1, res0_b1, res0_W2, res0_b2,
           res1_W1, res1_b1, res1_W2, res1_b2,
           res2_W1, res2_b1, res2_W2, res2_b2):
    idx_kj = idx_kj.astype(jnp.int32)
    idx_ji = idx_ji.astype(jnp.int32)
    xji, d = _run_k1(x, pair_basis, W_pair, W_kj, b_kj, W_ji, b_ji, W_down)
    tb = _run_k2(triplet_basis, W_trip)
    m = _run_scg(d, tb, idx_kj)
    seg = jax.ops.segment_sum(m, idx_ji, num_segments=E)
    rw = [(res0_W1, res0_b1, res0_W2, res0_b2),
          (res1_W1, res1_b1, res1_W2, res1_b2),
          (res2_W1, res2_b1, res2_W2, res2_b2)]
    return _run_k3b(x, xji, seg, W_up, rw)

# --- scband reference (transcript-rebuilt; emitter-appended) ---
"""Pipeline reference for scband-interaction-block-18562848654097 (READ-ONLY COPY).

The authoritative reference and input builder live on the scoring server;
editing this copy changes nothing except your own understanding.
"""

import jax, jax.numpy as jnp
import numpy as np

E = 160000
T = 640000
H = 256
INT = 64
PB = 16
TB = 42


def _lin(k, fan_in, fan_out):
    bound = 1.0 / np.sqrt(fan_in)
    return jax.random.uniform(k, (fan_in, fan_out), jnp.float32, -bound, bound)


def setup_inputs(seed: int = 0) -> dict:
    key = jax.random.key(seed)
    ks = jax.random.split(key, 24)
    inp = {}
    inp["x"] = jax.random.normal(ks[0], (E, H), dtype=jnp.float32)
    inp["pair_basis"] = jax.random.normal(ks[1], (E, PB), dtype=jnp.float32)
    inp["triplet_basis"] = jax.random.normal(ks[2], (T, TB), dtype=jnp.float32)
    inp["idx_kj"] = jax.random.randint(ks[3], (T,), 0, E, dtype=jnp.int64 if jax.config.jax_enable_x64 else jnp.int32)
    inp["idx_ji"] = jax.random.randint(ks[4], (T,), 0, E, dtype=jnp.int64 if jax.config.jax_enable_x64 else jnp.int32)
    inp["W_pair"] = _lin(ks[5], PB, H)
    inp["W_trip"] = _lin(ks[6], TB, INT)
    inp["W_kj"] = _lin(ks[7], H, H)
    inp["b_kj"] = jnp.zeros((H,), jnp.float32)
    inp["W_ji"] = _lin(ks[8], H, H)
    inp["b_ji"] = jnp.zeros((H,), jnp.float32)
    inp["W_down"] = _lin(ks[9], H, INT)
    inp["W_up"] = _lin(ks[10], INT, H)
    ki = 11
    for i in range(3):  # res0 = before_skip, res1/res2 = after_skip
        inp[f"res{i}_W1"] = _lin(ks[ki], H, H); ki += 1
        inp[f"res{i}_b1"] = jnp.zeros((H,), jnp.float32)
        inp[f"res{i}_W2"] = _lin(ks[ki], H, H); ki += 1
        inp[f"res{i}_b2"] = jnp.zeros((H,), jnp.float32)
    return inp


def _residual(h, W1, b1, W2, b2):
    return h + jax.nn.silu(jax.nn.silu(h @ W1 + b1) @ W2 + b2)


def reference(x, pair_basis, triplet_basis, idx_kj, idx_ji,
              W_pair, W_trip, W_kj, b_kj, W_ji, b_ji, W_down, W_up,
              res0_W1, res0_b1, res0_W2, res0_b2,
              res1_W1, res1_b1, res1_W2, res1_b2,
              res2_W1, res2_b1, res2_W2, res2_b2):
    silu = jax.nn.silu
    pb = silu(pair_basis @ W_pair)
    tb = silu(triplet_basis @ W_trip)
    x_ji = silu(x @ W_ji + b_ji)
    x_kj = silu(x @ W_kj + b_kj)
    x_kj = x_kj * pb
    x_kj = silu(x_kj @ W_down)
    x_kj = jnp.take(x_kj, idx_kj, axis=0) * tb
    x_kj = jax.ops.segment_sum(x_kj, idx_ji, num_segments=x.shape[0])
    x_kj = silu(x_kj @ W_up)
    h = x_ji + x_kj
    h = _residual(h, res0_W1, res0_b1, res0_W2, res0_b2)
    h = h + x
    h = _residual(h, res1_W1, res1_b1, res1_W2, res1_b2)
    h = _residual(h, res2_W1, res2_b1, res2_W2, res2_b2)
    return h

if __name__ == "__main__":
    import jax
    _d = setup_inputs()
    print(jax.jit(kernel)(*tuple(_d.values())))

</pallas_src>

<mosaic_0001>
#map = affine_map<(d0, d1) -> (0, 0)>
#map1 = affine_map<(d0, d1) -> (0)>
module attributes {stable_mosaic.version = 14 : i64} {
  func.func @_scg_body(%arg0: i32, %arg1: i32, %arg2: memref<160000x64xf32, #tpu.memory_space<hbm>>, %arg3: memref<640000x64xf32, #tpu.memory_space<hbm>>, %arg4: memref<640000xi32, #tpu.memory_space<hbm>>, %arg5: memref<640000x64xf32, #tpu.memory_space<hbm>>, %arg6: memref<128xi32, #tpu.memory_space<vmem>>, %arg7: memref<128x64xf32, #tpu.memory_space<vmem>>, %arg8: memref<128x64xf32, #tpu.memory_space<vmem>>) attributes {dimension_semantics = [#tpu.dimension_semantics<core_parallel>, #tpu.dimension_semantics<subcore_parallel>], iteration_bounds = array<i64: 2, 16>, scalar_prefetch = 0 : i64, scratch_operands = 3 : i64, tpu.core_type = #tpu.core_type<sc_vector_subcore>, window_params = [{transform_indices = #map}, {transform_indices = #map}, {transform_indices = #map1}, {transform_indices = #map}]} {
    %mul3A = arith.constant 2 : i32
    %mul3A_0 = arith.muli %arg1, %mul3A : i32
    %add3A = arith.addi %mul3A_0, %arg0 : i32
    %sub3A = arith.constant 5000 : i32
    %sub3A_1 = arith.subi %sub3A, %add3A : i32
    %add3A_2 = arith.constant 32 : i32
    %add3A_3 = arith.addi %sub3A_1, %add3A_2 : i32
    %sub3A_4 = arith.constant 1 : i32
    %sub3A_5 = arith.subi %add3A_3, %sub3A_4 : i32
    %jit3A = arith.constant 32 : i32
    %div3A = arith.divsi %sub3A_5, %jit3A : i32
    %sign3A = arith.constant 0 : i32
    %sign3A_6 = arith.cmpi sgt, %sub3A_5, %sign3A : i32
    %sign3A_7 = arith.extui %sign3A_6 : i1 to i32
    %sign3A_8 = arith.constant 0 : i32
    %sign3A_9 = arith.cmpi slt, %sub3A_5, %sign3A_8 : i32
    %sign3A_10 = arith.extui %sign3A_9 : i1 to i32
    %sign3A_11 = arith.subi %sign3A_7, %sign3A_10 : i32
    %sign3A_12 = arith.constant 0 : i32
    %sign3A_13 = arith.cmpi sgt, %jit3A, %sign3A_12 : i32
    %sign3A_14 = arith.extui %sign3A_13 : i1 to i32
    %sign3A_15 = arith.constant 0 : i32
    %sign3A_16 = arith.cmpi slt, %jit3A, %sign3A_15 : i32
    %sign3A_17 = arith.extui %sign3A_16 : i1 to i32
    %sign3A_18 = arith.subi %sign3A_14, %sign3A_17 : i32
    %ne3A = arith.cmpi ne, %sign3A_11, %sign3A_18 : i32
    %rem3A = arith.remsi %sub3A_5, %jit3A : i32
    %ne3A_19 = arith.constant 0 : i32
    %ne3A_20 = arith.cmpi ne, %rem3A, %ne3A_19 : i32
    %and3A = arith.andi %ne3A, %ne3A_20 : i1
    %sub3A_21 = arith.constant 1 : i32
    %sub3A_22 = arith.subi %div3A, %sub3A_21 : i32
    %select_n3A = arith.select %and3A, %sub3A_22, %div3A : i32
    %while3A = arith.constant 0 : i32
    %while3A_23 = arith.constant 0 : i32
    %while3A_24 = arith.subi %select_n3A, %while3A : i32
    %while3A_25 = arith.addi %while3A, %while3A_24 : i32
    %while3A_26 = arith.constant 1 : i32
    %while3A_27 = arith.divsi %while3A_24, %while3A_26 : i32
    %while3A_28 = arith.muli %while3A_27, %while3A_26 : i32
    %while3A_29 = arith.addi %while3A, %while3A_28 : i32
    %while3A_30 = arith.constant 1 : i32
    %while3A_31 = scf.for %while3A_34 = %while3A to %while3A_29 step %while3A_30 iter_args(%while3A_35 = %while3A_23) -> (i32)  : i32 {
      %mul3A_36 = arith.constant 32 : i32
      %mul3A_37 = arith.muli %while3A_34, %mul3A_36 : i32
      %add3A_38 = arith.addi %add3A, %mul3A_37 : i32
      %mul3A_39 = arith.constant 128 : i32
      %mul3A_40 = arith.muli %add3A_38, %mul3A_39 : i32
      %multiple_of3A = tpu.assume_multiple %mul3A_40, 8 : i32
      "tpu.region"() ({
        %run_scoped3A = tpu.sem_alloc : memref<!tpu.dma_semaphore, #tpu.memory_space<semaphore_mem>>
        %dma_start3A = tpu.memref_slice %arg4[%multiple_of3A] : memref<640000xi32, #tpu.memory_space<hbm>> -> memref<128xi32, #tpu.memory_space<hbm>>
        %dma_start3A_48 = tpu.memref_slice %arg4[%multiple_of3A] : memref<640000xi32, #tpu.memory_space<hbm>> -> memref<128xi32, #tpu.memory_space<hbm>>
        tpu.enqueue_dma source(%dma_start3A_48 : memref<128xi32, #tpu.memory_space<hbm>>) target(%arg6 : memref<128xi32, #tpu.memory_space<vmem>>) target_semaphore(%run_scoped3A : memref<!tpu.dma_semaphore, #tpu.memory_space<semaphore_mem>>)
        %dma_wait3A = tpu.memref_slice %arg4[%multiple_of3A] : memref<640000xi32, #tpu.memory_space<hbm>> -> memref<128xi32, #tpu.memory_space<hbm>>
        %dma_wait3A_49 = tpu.memref_slice %arg4[%multiple_of3A] : memref<640000xi32, #tpu.memory_space<hbm>> -> memref<128xi32, #tpu.memory_space<hbm>>
        tpu.wait_dma2 semaphore(%run_scoped3A : memref<!tpu.dma_semaphore, #tpu.memory_space<semaphore_mem>>) src(%dma_wait3A_49 : memref<128xi32, #tpu.memory_space<hbm>>) dst(%arg6 : memref<128xi32, #tpu.memory_space<vmem>>)
        tpu.yield
      }) : () -> ()
      "tpu.region"() ({
        %run_scoped3A = tpu.sem_alloc : memref<!tpu.dma_semaphore, #tpu.memory_space<semaphore_mem>>
        %dma_start3A = arith.constant 0 : i32
        %dma_start3A_48 = arith.constant 0 : i32
        %dma_start3A_49 = tpu.memref_slice %arg2[%dma_start3A, %dma_start3A_48] : memref<160000x64xf32, #tpu.memory_space<hbm>> -> memref<160000x64xf32, #tpu.memory_space<hbm>>
        tpu.enqueue_indirect_dma source(%dma_start3A_49 : memref<160000x64xf32, #tpu.memory_space<hbm>>) target(%arg7 : memref<128x64xf32, #tpu.memory_space<vmem>>) offsets(%arg6 : memref<128xi32, #tpu.memory_space<vmem>>) semaphore(%run_scoped3A : memref<!tpu.dma_semaphore, #tpu.memory_space<semaphore_mem>>)
        %dma_wait3A = arith.constant 0 : i32
        %dma_wait3A_50 = arith.constant 0 : i32
        %dma_wait3A_51 = tpu.memref_slice %arg2[%dma_wait3A, %dma_wait3A_50] : memref<160000x64xf32, #tpu.memory_space<hbm>> -> memref<160000x64xf32, #tpu.memory_space<hbm>>
        tpu.wait_indirect_dma semaphore(%run_scoped3A : memref<!tpu.dma_semaphore, #tpu.memory_space<semaphore_mem>>) src(%dma_wait3A_51 : memref<160000x64xf32, #tpu.memory_space<hbm>>) dst(%arg7 : memref<128x64xf32, #tpu.memory_space<vmem>>)
        tpu.yield
      }) : () -> ()
      "tpu.region"() ({
        %run_scoped3A = tpu.sem_alloc : memref<!tpu.dma_semaphore, #tpu.memory_space<semaphore_mem>>
        %dma_start3A = arith.constant 0 : i32
        %dma_start3A_48 = tpu.memref_slice %arg3[%multiple_of3A, %dma_start3A] : memref<640000x64xf32, #tpu.memory_space<hbm>> -> memref<128x64xf32, #tpu.memory_space<hbm>>
        %dma_start3A_49 = arith.constant 0 : i32
        %dma_start3A_50 = tpu.memref_slice %arg3[%multiple_of3A, %dma_start3A_49] : memref<640000x64xf32, #tpu.memory_space<hbm>> -> memref<128x64xf32, #tpu.memory_space<hbm>>
        tpu.enqueue_dma source(%dma_start3A_50 : memref<128x64xf32, #tpu.memory_space<hbm>>) target(%arg8 : memref<128x64xf32, #tpu.memory_space<vmem>>) target_semaphore(%run_scoped3A : memref<!tpu.dma_semaphore, #tpu.memory_space<semaphore_mem>>)
        %dma_wait3A = arith.constant 0 : i32
        %dma_wait3A_51 = tpu.memref_slice %arg3[%multiple_of3A, %dma_wait3A] : memref<640000x64xf32, #tpu.memory_space<hbm>> -> memref<128x64xf32, #tpu.memory_space<hbm>>
        %dma_wait3A_52 = arith.constant 0 : i32
        %dma_wait3A_53 = tpu.memref_slice %arg3[%multiple_of3A, %dma_wait3A_52] : memref<640000x64xf32, #tpu.memory_space<hbm>> -> memref<128x64xf32, #tpu.memory_space<hbm>>
        tpu.wait_dma2 semaphore(%run_scoped3A : memref<!tpu.dma_semaphore, #tpu.memory_space<semaphore_mem>>) src(%dma_wait3A_53 : memref<128x64xf32, #tpu.memory_space<hbm>>) dst(%arg8 : memref<128x64xf32, #tpu.memory_space<vmem>>)
        tpu.yield
      }) : () -> ()
      %scan3A = arith.constant 0 : i32
      %scan3A_41 = arith.constant 0 : i32
      %scan3A_42 = arith.constant 128 : i32
      %scan3A_43 = arith.addi %scan3A_41, %scan3A_42 : i32
      %scan3A_44 = arith.constant 1 : i32
      %scan3A_45 = scf.for %scan3A_48 = %scan3A_41 to %scan3A_43 step %scan3A_44 iter_args(%scan3A_49 = %scan3A) -> (i32)  : i32 {
        %get3A = arith.index_cast %scan3A_48 : i32 to index
        %get3A_50 = arith.constant 0 : index
        %get3A_51 = tpu.vector_load %arg7[%get3A, %get3A_50] {strides = array<i32>} : memref<128x64xf32, #tpu.memory_space<vmem>>, vector<16xf32>,
        %get3A_52 = arith.index_cast %scan3A_48 : i32 to index
        %get3A_53 = arith.constant 0 : index
        %get3A_54 = tpu.vector_load %arg8[%get3A_52, %get3A_53] {strides = array<i32>} : memref<128x64xf32, #tpu.memory_space<vmem>>, vector<16xf32>,
        %mul3A_55 = arith.mulf %get3A_51, %get3A_54 : vector<16xf32>
        %swap3A = arith.index_cast %scan3A_48 : i32 to index
        %swap3A_56 = arith.constant 0 : index
        %swap3A_57 = tpu.vector_load %arg7[%swap3A, %swap3A_56] {strides = array<i32>} : memref<128x64xf32, #tpu.memory_space<vmem>>, vector<16xf32>,
        tpu.vector_store %arg7[%swap3A, %swap3A_56], %mul3A_55 {strides = array<i32>} : memref<128x64xf32, #tpu.memory_space<vmem>>, vector<16xf32>,
        %get3A_58 = arith.index_cast %scan3A_48 : i32 to index
        %get3A_59 = arith.constant 16 : index
        %get3A_60 = tpu.vector_load %arg7[%get3A_58, %get3A_59] {strides = array<i32>} : memref<128x64xf32, #tpu.memory_space<vmem>>, vector<16xf32>,
        %get3A_61 = arith.index_cast %scan3A_48 : i32 to index
        %get3A_62 = arith.constant 16 : index
        %get3A_63 = tpu.vector_load %arg8[%get3A_61, %get3A_62] {strides = array<i32>} : memref<128x64xf32, #tpu.memory_space<vmem>>, vector<16xf32>,
        %mul3A_64 = arith.mulf %get3A_60, %get3A_63 : vector<16xf32>
        %swap3A_65 = arith.index_cast %scan3A_48 : i32 to index
        %swap3A_66 = arith.constant 16 : index
        %swap3A_67 = tpu.vector_load %arg7[%swap3A_65, %swap3A_66] {strides = array<i32>} : memref<128x64xf32, #tpu.memory_space<vmem>>, vector<16xf32>,
        tpu.vector_store %arg7[%swap3A_65, %swap3A_66], %mul3A_64 {strides = array<i32>} : memref<128x64xf32, #tpu.memory_space<vmem>>, vector<16xf32>,
        %get3A_68 = arith.index_cast %scan3A_48 : i32 to index
        %get3A_69 = arith.constant 32 : index
        %get3A_70 = tpu.vector_load %arg7[%get3A_68, %get3A_69] {strides = array<i32>} : memref<128x64xf32, #tpu.memory_space<vmem>>, vector<16xf32>,
        %get3A_71 = arith.index_cast %scan3A_48 : i32 to index
        %get3A_72 = arith.constant 32 : index
        %get3A_73 = tpu.vector_load %arg8[%get3A_71, %get3A_72] {strides = array<i32>} : memref<128x64xf32, #tpu.memory_space<vmem>>, vector<16xf32>,
        %mul3A_74 = arith.mulf %get3A_70, %get3A_73 : vector<16xf32>
        %swap3A_75 = arith.index_cast %scan3A_48 : i32 to index
        %swap3A_76 = arith.constant 32 : index
        %swap3A_77 = tpu.vector_load %arg7[%swap3A_75, %swap3A_76] {strides = array<i32>} : memref<128x64xf32, #tpu.memory_space<vmem>>, vector<16xf32>,
        tpu.vector_store %arg7[%swap3A_75, %swap3A_76], %mul3A_74 {strides = array<i32>} : memref<128x64xf32, #tpu.memory_space<vmem>>, vector<16xf32>,
        %get3A_78 = arith.index_cast %scan3A_48 : i32 to index
        %get3A_79 = arith.constant 48 : index
        %get3A_80 = tpu.vector_load %arg7[%get3A_78, %get3A_79] {strides = array<i32>} : memref<128x64xf32, #tpu.memory_space<vmem>>, vector<16xf32>,
        %get3A_81 = arith.index_cast %scan3A_48 : i32 to index
        %get3A_82 = arith.constant 48 : index
        %get3A_83 = tpu.vector_load %arg8[%get3A_81, %get3A_82] {strides = array<i32>} : memref<128x64xf32, #tpu.memory_space<vmem>>, vector<16xf32>,
        %mul3A_84 = arith.mulf %get3A_80, %get3A_83 : vector<16xf32>
        %swap3A_85 = arith.index_cast %scan3A_48 : i32 to index
        %swap3A_86 = arith.constant 48 : index
        %swap3A_87 = tpu.vector_load %arg7[%swap3A_85, %swap3A_86] {strides = array<i32>} : memref<128x64xf32, #tpu.memory_space<vmem>>, vector<16xf32>,
        tpu.vector_store %arg7[%swap3A_85, %swap3A_86], %mul3A_84 {strides = array<i32>} : memref<128x64xf32, #tpu.memory_space<vmem>>, vector<16xf32>,
        %scan3A_88 = arith.constant 0 : i32
        scf.yield %scan3A_88 : i32
      }
      %scan3A_46 = arith.constant 128 : i32
      "tpu.region"() ({
        %run_scoped3A = tpu.sem_alloc : memref<!tpu.dma_semaphore, #tpu.memory_space<semaphore_mem>>
        %dma_start3A = arith.constant 0 : i32
        %dma_start3A_48 = tpu.memref_slice %arg5[%multiple_of3A, %dma_start3A] : memref<640000x64xf32, #tpu.memory_space<hbm>> -> memref<128x64xf32, #tpu.memory_space<hbm>>
        %dma_start3A_49 = arith.constant 0 : i32
        %dma_start3A_50 = tpu.memref_slice %arg5[%multiple_of3A, %dma_start3A_49] : memref<640000x64xf32, #tpu.memory_space<hbm>> -> memref<128x64xf32, #tpu.memory_space<hbm>>
        tpu.enqueue_dma source(%arg7 : memref<128x64xf32, #tpu.memory_space<vmem>>) target(%dma_start3A_50 : memref<128x64xf32, #tpu.memory_space<hbm>>) target_semaphore(%run_scoped3A : memref<!tpu.dma_semaphore, #tpu.memory_space<semaphore_mem>>)
        %dma_wait3A = arith.constant 0 : i32
        %dma_wait3A_51 = tpu.memref_slice %arg5[%multiple_of3A, %dma_wait3A] : memref<640000x64xf32, #tpu.memory_space<hbm>> -> memref<128x64xf32, #tpu.memory_space<hbm>>
        %dma_wait3A_52 = arith.constant 0 : i32
        %dma_wait3A_53 = tpu.memref_slice %arg5[%multiple_of3A, %dma_wait3A_52] : memref<640000x64xf32, #tpu.memory_space<hbm>> -> memref<128x64xf32, #tpu.memory_space<hbm>>
        tpu.wait_dma2 semaphore(%run_scoped3A : memref<!tpu.dma_semaphore, #tpu.memory_space<semaphore_mem>>) src(%arg7 : memref<128x64xf32, #tpu.memory_space<vmem>>) dst(%dma_wait3A_53 : memref<128x64xf32, #tpu.memory_space<hbm>>)
        tpu.yield
      }) : () -> ()
      %while3A_47 = arith.constant 0 : i32
      scf.yield %while3A_47 : i32
    }
    %while3A_32 = arith.constant 1 : i32
    %while3A_33 = scf.for %while3A_34 = %while3A_29 to %while3A_25 step %while3A_32 iter_args(%while3A_35 = %while3A_31) -> (i32)  : i32 {
      %mul3A_36 = arith.constant 32 : i32
      %mul3A_37 = arith.muli %while3A_34, %mul3A_36 : i32
      %add3A_38 = arith.addi %add3A, %mul3A_37 : i32
      %mul3A_39 = arith.constant 128 : i32
      %mul3A_40 = arith.muli %add3A_38, %mul3A_39 : i32
      %multiple_of3A = tpu.assume_multiple %mul3A_40, 8 : i32
      "tpu.region"() ({
        %run_scoped3A = tpu.sem_alloc : memref<!tpu.dma_semaphore, #tpu.memory_space<semaphore_mem>>
        %dma_start3A = tpu.memref_slice %arg4[%multiple_of3A] : memref<640000xi32, #tpu.memory_space<hbm>> -> memref<128xi32, #tpu.memory_space<hbm>>
        %dma_start3A_48 = tpu.memref_slice %arg4[%multiple_of3A] : memref<640000xi32, #tpu.memory_space<hbm>> -> memref<128xi32, #tpu.memory_space<hbm>>
        tpu.enqueue_dma source(%dma_start3A_48 : memref<128xi32, #tpu.memory_space<hbm>>) target(%arg6 : memref<128xi32, #tpu.memory_space<vmem>>) target_semaphore(%run_scoped3A : memref<!tpu.dma_semaphore, #tpu.memory_space<semaphore_mem>>)
        %dma_wait3A = tpu.memref_slice %arg4[%multiple_of3A] : memref<640000xi32, #tpu.memory_space<hbm>> -> memref<128xi32, #tpu.memory_space<hbm>>
        %dma_wait3A_49 = tpu.memref_slice %arg4[%multiple_of3A] : memref<640000xi32, #tpu.memory_space<hbm>> -> memref<128xi32, #tpu.memory_space<hbm>>
        tpu.wait_dma2 semaphore(%run_scoped3A : memref<!tpu.dma_semaphore, #tpu.memory_space<semaphore_mem>>) src(%dma_wait3A_49 : memref<128xi32, #tpu.memory_space<hbm>>) dst(%arg6 : memref<128xi32, #tpu.memory_space<vmem>>)
        tpu.yield
      }) : () -> ()
      "tpu.region"() ({
        %run_scoped3A = tpu.sem_alloc : memref<!tpu.dma_semaphore, #tpu.memory_space<semaphore_mem>>
        %dma_start3A = arith.constant 0 : i32
        %dma_start3A_48 = arith.constant 0 : i32
        %dma_start3A_49 = tpu.memref_slice %arg2[%dma_start3A, %dma_start3A_48] : memref<160000x64xf32, #tpu.memory_space<hbm>> -> memref<160000x64xf32, #tpu.memory_space<hbm>>
        tpu.enqueue_indirect_dma source(%dma_start3A_49 : memref<160000x64xf32, #tpu.memory_space<hbm>>) target(%arg7 : memref<128x64xf32, #tpu.memory_space<vmem>>) offsets(%arg6 : memref<128xi32, #tpu.memory_space<vmem>>) semaphore(%run_scoped3A : memref<!tpu.dma_semaphore, #tpu.memory_space<semaphore_mem>>)
        %dma_wait3A = arith.constant 0 : i32
        %dma_wait3A_50 = arith.constant 0 : i32
        %dma_wait3A_51 = tpu.memref_slice %arg2[%dma_wait3A, %dma_wait3A_50] : memref<160000x64xf32, #tpu.memory_space<hbm>> -> memref<160000x64xf32, #tpu.memory_space<hbm>>
        tpu.wait_indirect_dma semaphore(%run_scoped3A : memref<!tpu.dma_semaphore, #tpu.memory_space<semaphore_mem>>) src(%dma_wait3A_51 : memref<160000x64xf32, #tpu.memory_space<hbm>>) dst(%arg7 : memref<128x64xf32, #tpu.memory_space<vmem>>)
        tpu.yield
      }) : () -> ()
      "tpu.region"() ({
        %run_scoped3A = tpu.sem_alloc : memref<!tpu.dma_semaphore, #tpu.memory_space<semaphore_mem>>
        %dma_start3A = arith.constant 0 : i32
        %dma_start3A_48 = tpu.memref_slice %arg3[%multiple_of3A, %dma_start3A] : memref<640000x64xf32, #tpu.memory_space<hbm>> -> memref<128x64xf32, #tpu.memory_space<hbm>>
        %dma_start3A_49 = arith.constant 0 : i32
        %dma_start3A_50 = tpu.memref_slice %arg3[%multiple_of3A, %dma_start3A_49] : memref<640000x64xf32, #tpu.memory_space<hbm>> -> memref<128x64xf32, #tpu.memory_space<hbm>>
        tpu.enqueue_dma source(%dma_start3A_50 : memref<128x64xf32, #tpu.memory_space<hbm>>) target(%arg8 : memref<128x64xf32, #tpu.memory_space<vmem>>) target_semaphore(%run_scoped3A : memref<!tpu.dma_semaphore, #tpu.memory_space<semaphore_mem>>)
        %dma_wait3A = arith.constant 0 : i32
        %dma_wait3A_51 = tpu.memref_slice %arg3[%multiple_of3A, %dma_wait3A] : memref<640000x64xf32, #tpu.memory_space<hbm>> -> memref<128x64xf32, #tpu.memory_space<hbm>>
        %dma_wait3A_52 = arith.constant 0 : i32
        %dma_wait3A_53 = tpu.memref_slice %arg3[%multiple_of3A, %dma_wait3A_52] : memref<640000x64xf32, #tpu.memory_space<hbm>> -> memref<128x64xf32, #tpu.memory_space<hbm>>
        tpu.wait_dma2 semaphore(%run_scoped3A : memref<!tpu.dma_semaphore, #tpu.memory_space<semaphore_mem>>) src(%dma_wait3A_53 : memref<128x64xf32, #tpu.memory_space<hbm>>) dst(%arg8 : memref<128x64xf32, #tpu.memory_space<vmem>>)
        tpu.yield
      }) : () -> ()
      %scan3A = arith.constant 0 : i32
      %scan3A_41 = arith.constant 0 : i32
      %scan3A_42 = arith.constant 128 : i32
      %scan3A_43 = arith.addi %scan3A_41, %scan3A_42 : i32
      %scan3A_44 = arith.constant 1 : i32
      %scan3A_45 = scf.for %scan3A_48 = %scan3A_41 to %scan3A_43 step %scan3A_44 iter_args(%scan3A_49 = %scan3A) -> (i32)  : i32 {
        %get3A = arith.index_cast %scan3A_48 : i32 to index
        %get3A_50 = arith.constant 0 : index
        %get3A_51 = tpu.vector_load %arg7[%get3A, %get3A_50] {strides = array<i32>} : memref<128x64xf32, #tpu.memory_space<vmem>>, vector<16xf32>,
        %get3A_52 = arith.index_cast %scan3A_48 : i32 to index
        %get3A_53 = arith.constant 0 : index
        %get3A_54 = tpu.vector_load %arg8[%get3A_52, %get3A_53] {strides = array<i32>} : memref<128x64xf32, #tpu.memory_space<vmem>>, vector<16xf32>,
        %mul3A_55 = arith.mulf %get3A_51, %get3A_54 : vector<16xf32>
        %swap3A = arith.index_cast %scan3A_48 : i32 to index
        %swap3A_56 = arith.constant 0 : index
        %swap3A_57 = tpu.vector_load %arg7[%swap3A, %swap3A_56] {strides = array<i32>} : memref<128x64xf32, #tpu.memory_space<vmem>>, vector<16xf32>,
        tpu.vector_store %arg7[%swap3A, %swap3A_56], %mul3A_55 {strides = array<i32>} : memref<128x64xf32, #tpu.memory_space<vmem>>, vector<16xf32>,
        %get3A_58 = arith.index_cast %scan3A_48 : i32 to index
        %get3A_59 = arith.constant 16 : index
        %get3A_60 = tpu.vector_load %arg7[%get3A_58, %get3A_59] {strides = array<i32>} : memref<128x64xf32, #tpu.memory_space<vmem>>, vector<16xf32>,
        %get3A_61 = arith.index_cast %scan3A_48 : i32 to index
        %get3A_62 = arith.constant 16 : index
        %get3A_63 = tpu.vector_load %arg8[%get3A_61, %get3A_62] {strides = array<i32>} : memref<128x64xf32, #tpu.memory_space<vmem>>, vector<16xf32>,
        %mul3A_64 = arith.mulf %get3A_60, %get3A_63 : vector<16xf32>
        %swap3A_65 = arith.index_cast %scan3A_48 : i32 to index
        %swap3A_66 = arith.constant 16 : index
        %swap3A_67 = tpu.vector_load %arg7[%swap3A_65, %swap3A_66] {strides = array<i32>} : memref<128x64xf32, #tpu.memory_space<vmem>>, vector<16xf32>,
        tpu.vector_store %arg7[%swap3A_65, %swap3A_66], %mul3A_64 {strides = array<i32>} : memref<128x64xf32, #tpu.memory_space<vmem>>, vector<16xf32>,
        %get3A_68 = arith.index_cast %scan3A_48 : i32 to index
        %get3A_69 = arith.constant 32 : index
        %get3A_70 = tpu.vector_load %arg7[%get3A_68, %get3A_69] {strides = array<i32>} : memref<128x64xf32, #tpu.memory_space<vmem>>, vector<16xf32>,
        %get3A_71 = arith.index_cast %scan3A_48 : i32 to index
        %get3A_72 = arith.constant 32 : index
        %get3A_73 = tpu.vector_load %arg8[%get3A_71, %get3A_72] {strides = array<i32>} : memref<128x64xf32, #tpu.memory_space<vmem>>, vector<16xf32>,
        %mul3A_74 = arith.mulf %get3A_70, %get3A_73 : vector<16xf32>
        %swap3A_75 = arith.index_cast %scan3A_48 : i32 to index
        %swap3A_76 = arith.constant 32 : index
        %swap3A_77 = tpu.vector_load %arg7[%swap3A_75, %swap3A_76] {strides = array<i32>} : memref<128x64xf32, #tpu.memory_space<vmem>>, vector<16xf32>,
        tpu.vector_store %arg7[%swap3A_75, %swap3A_76], %mul3A_74 {strides = array<i32>} : memref<128x64xf32, #tpu.memory_space<vmem>>, vector<16xf32>,
        %get3A_78 = arith.index_cast %scan3A_48 : i32 to index
        %get3A_79 = arith.constant 48 : index
        %get3A_80 = tpu.vector_load %arg7[%get3A_78, %get3A_79] {strides = array<i32>} : memref<128x64xf32, #tpu.memory_space<vmem>>, vector<16xf32>,
        %get3A_81 = arith.index_cast %scan3A_48 : i32 to index
        %get3A_82 = arith.constant 48 : index
        %get3A_83 = tpu.vector_load %arg8[%get3A_81, %get3A_82] {strides = array<i32>} : memref<128x64xf32, #tpu.memory_space<vmem>>, vector<16xf32>,
        %mul3A_84 = arith.mulf %get3A_80, %get3A_83 : vector<16xf32>
        %swap3A_85 = arith.index_cast %scan3A_48 : i32 to index
        %swap3A_86 = arith.constant 48 : index
        %swap3A_87 = tpu.vector_load %arg7[%swap3A_85, %swap3A_86] {strides = array<i32>} : memref<128x64xf32, #tpu.memory_space<vmem>>, vector<16xf32>,
        tpu.vector_store %arg7[%swap3A_85, %swap3A_86], %mul3A_84 {strides = array<i32>} : memref<128x64xf32, #tpu.memory_space<vmem>>, vector<16xf32>,
        %scan3A_88 = arith.constant 0 : i32
        scf.yield %scan3A_88 : i32
      }
      %scan3A_46 = arith.constant 128 : i32
      "tpu.region"() ({
        %run_scoped3A = tpu.sem_alloc : memref<!tpu.dma_semaphore, #tpu.memory_space<semaphore_mem>>
        %dma_start3A = arith.constant 0 : i32
        %dma_start3A_48 = tpu.memref_slice %arg5[%multiple_of3A, %dma_start3A] : memref<640000x64xf32, #tpu.memory_space<hbm>> -> memref<128x64xf32, #tpu.memory_space<hbm>>
        %dma_start3A_49 = arith.constant 0 : i32
        %dma_start3A_50 = tpu.memref_slice %arg5[%multiple_of3A, %dma_start3A_49] : memref<640000x64xf32, #tpu.memory_space<hbm>> -> memref<128x64xf32, #tpu.memory_space<hbm>>
        tpu.enqueue_dma source(%arg7 : memref<128x64xf32, #tpu.memory_space<vmem>>) target(%dma_start3A_50 : memref<128x64xf32, #tpu.memory_space<hbm>>) target_semaphore(%run_scoped3A : memref<!tpu.dma_semaphore, #tpu.memory_space<semaphore_mem>>)
        %dma_wait3A = arith.constant 0 : i32
        %dma_wait3A_51 = tpu.memref_slice %arg5[%multiple_of3A, %dma_wait3A] : memref<640000x64xf32, #tpu.memory_space<hbm>> -> memref<128x64xf32, #tpu.memory_space<hbm>>
        %dma_wait3A_52 = arith.constant 0 : i32
        %dma_wait3A_53 = tpu.memref_slice %arg5[%multiple_of3A, %dma_wait3A_52] : memref<640000x64xf32, #tpu.memory_space<hbm>> -> memref<128x64xf32, #tpu.memory_space<hbm>>
        tpu.wait_dma2 semaphore(%run_scoped3A : memref<!tpu.dma_semaphore, #tpu.memory_space<semaphore_mem>>) src(%arg7 : memref<128x64xf32, #tpu.memory_space<vmem>>) dst(%dma_wait3A_53 : memref<128x64xf32, #tpu.memory_space<hbm>>)
        tpu.yield
      }) : () -> ()
      %while3A_47 = arith.constant 0 : i32
      scf.yield %while3A_47 : i32
    }
    return
  }
}

module attributes {stable_mosaic.version = 14 : i64} {
  func.func @_k1_body(%arg0: i32, %arg1: memref<1600x256xf32, #tpu.memory_space<vmem>>, %arg2: memref<1600x16xf32, #tpu.memory_space<vmem>>, %arg3: memref<16x256xf32, #tpu.memory_space<vmem>>, %arg4: memref<256x256xf32, #tpu.memory_space<vmem>>, %arg5: memref<1x256xf32, #tpu.memory_space<vmem>>, %arg6: memref<256x256xf32, #tpu.memory_space<vmem>>, %arg7: memref<1x256xf32, #tpu.memory_space<vmem>>, %arg8: memref<256x64xf32, #tpu.memory_space<vmem>>, %arg9: memref<1600x256xf32, #tpu.memory_space<vmem>>, %arg10: memref<1600x64xf32, #tpu.memory_space<vmem>>) attributes {dimension_semantics = [#tpu.dimension_semantics<arbitrary>], iteration_bounds = array<i64: 100>, scalar_prefetch = 0 : i64, scratch_operands = 0 : i64, tpu.core_type = #tpu.core_type<tc>, window_params = [{transform_indices = @transform_0, window_bounds = array<i64: 1600, 256>}, {transform_indices = @transform_1, window_bounds = array<i64: 1600, 16>}, {pipeline_mode = #tpu.pipeline_mode<synchronous>, transform_indices = @transform_2, window_bounds = array<i64: 16, 256>}, {pipeline_mode = #tpu.pipeline_mode<synchronous>, transform_indices = @transform_3, window_bounds = array<i64: 256, 256>}, {pipeline_mode = #tpu.pipeline_mode<synchronous>, transform_indices = @transform_4, window_bounds = array<i64: 1, 256>}, {pipeline_mode = #tpu.pipeline_mode<synchronous>, transform_indices = @transform_5, window_bounds = array<i64: 256, 256>}, {pipeline_mode = #tpu.pipeline_mode<synchronous>, transform_indices = @transform_6, window_bounds = array<i64: 1, 256>}, {pipeline_mode = #tpu.pipeline_mode<synchronous>, transform_indices = @transform_7, window_bounds = array<i64: 256, 64>}, {transform_indices = @transform_8, window_bounds = array<i64: 1600, 256>}, {transform_indices = @transform_9, window_bounds = array<i64: 1600, 64>}]} {
    %get3A = arith.constant 0 : index
    %get3A_0 = arith.constant 0 : index
    %get3A_1 = vector.load %arg1[%get3A, %get3A_0] : memref<1600x256xf32, #tpu.memory_space<vmem>>, vector<1600x256xf32>
    %get3A_2 = arith.constant 0 : index
    %get3A_3 = arith.constant 0 : index
    %get3A_4 = vector.load %arg2[%get3A_2, %get3A_3] : memref<1600x16xf32, #tpu.memory_space<vmem>>, vector<1600x16xf32>
    %get3A_5 = arith.constant 0 : index
    %get3A_6 = arith.constant 0 : index
    %get3A_7 = vector.load %arg3[%get3A_5, %get3A_6] : memref<16x256xf32, #tpu.memory_space<vmem>>, vector<16x256xf32>
    %dot_general3A = arith.constant dense<0.000000e+00> : vector<1600x256xf32>
    %dot_general3A_8 = tpu.matmul %get3A_4, %get3A_7, %dot_general3A {dimension_numbers = #tpu.dot_dimension_numbers<[1], [0], [0], [1], [0, 0, 1, 1], [], []>, transpose_lhs_hint = false} : vector<1600x16xf32>, vector<16x256xf32>, vector<1600x256xf32> -> vector<1600x256xf32>
    %neg3A = arith.constant 0.000000e+00 : f32
    %neg3A_9 = vector.broadcast %neg3A : f32 to vector<1600x256xf32>
    %neg3A_10 = arith.subf %neg3A_9, %dot_general3A_8 : vector<1600x256xf32>
    %exp3A = math.exp %neg3A_10 : vector<1600x256xf32>
    %add3A = arith.constant 1.000000e+00 : f32
    %add3A_11 = vector.broadcast %add3A : f32 to vector<1600x256xf32>
    %add3A_12 = arith.addf %add3A_11, %exp3A : vector<1600x256xf32>
    %div3A = arith.divf %dot_general3A_8, %add3A_12 : vector<1600x256xf32>
    %get3A_13 = arith.constant 0 : index
    %get3A_14 = arith.constant 0 : index
    %get3A_15 = vector.load %arg6[%get3A_13, %get3A_14] : memref<256x256xf32, #tpu.memory_space<vmem>>, vector<256x256xf32>
    %dot_general3A_16 = arith.constant dense<0.000000e+00> : vector<1600x256xf32>
    %dot_general3A_17 = tpu.matmul %get3A_1, %get3A_15, %dot_general3A_16 {dimension_numbers = #tpu.dot_dimension_numbers<[1], [0], [0], [1], [0, 0, 1, 1], [], []>, transpose_lhs_hint = false} : vector<1600x256xf32>, vector<256x256xf32>, vector<1600x256xf32> -> vector<1600x256xf32>
    %get3A_18 = arith.constant 0 : index
    %get3A_19 = arith.constant 0 : index
    %get3A_20 = vector.load %arg7[%get3A_18, %get3A_19] : memref<1x256xf32, #tpu.memory_space<vmem>>, vector<1x256xf32>
    %add3A_21 = vector.broadcast %get3A_20 : vector<1x256xf32> to vector<1600x256xf32>
    %add3A_22 = arith.addf %dot_general3A_17, %add3A_21 : vector<1600x256xf32>
    %neg3A_23 = arith.constant 0.000000e+00 : f32
    %neg3A_24 = vector.broadcast %neg3A_23 : f32 to vector<1600x256xf32>
    %neg3A_25 = arith.subf %neg3A_24, %add3A_22 : vector<1600x256xf32>
    %exp3A_26 = math.exp %neg3A_25 : vector<1600x256xf32>
    %add3A_27 = arith.constant 1.000000e+00 : f32
    %add3A_28 = vector.broadcast %add3A_27 : f32 to vector<1600x256xf32>
    %add3A_29 = arith.addf %add3A_28, %exp3A_26 : vector<1600x256xf32>
    %div3A_30 = arith.divf %add3A_22, %add3A_29 : vector<1600x256xf32>
    %get3A_31 = arith.constant 0 : index
    %get3A_32 = arith.constant 0 : index
    %get3A_33 = vector.load %arg4[%get3A_31, %get3A_32] : memref<256x256xf32, #tpu.memory_space<vmem>>, vector<256x256xf32>
    %dot_general3A_34 = arith.constant dense<0.000000e+00> : vector<1600x256xf32>
    %dot_general3A_35 = tpu.matmul %get3A_1, %get3A_33, %dot_general3A_34 {dimension_numbers = #tpu.dot_dimension_numbers<[1], [0], [0], [1], [0, 0, 1, 1], [], []>, transpose_lhs_hint = false} : vector<1600x256xf32>, vector<256x256xf32>, vector<1600x256xf32> -> vector<1600x256xf32>
    %get3A_36 = arith.constant 0 : index
    %get3A_37 = arith.constant 0 : index
    %get3A_38 = vector.load %arg5[%get3A_36, %get3A_37] : memref<1x256xf32, #tpu.memory_space<vmem>>, vector<1x256xf32>
    %add3A_39 = vector.broadcast %get3A_38 : vector<1x256xf32> to vector<1600x256xf32>
    %add3A_40 = arith.addf %dot_general3A_35, %add3A_39 : vector<1600x256xf32>
    %neg3A_41 = arith.constant 0.000000e+00 : f32
    %neg3A_42 = vector.broadcast %neg3A_41 : f32 to vector<1600x256xf32>
    %neg3A_43 = arith.subf %neg3A_42, %add3A_40 : vector<1600x256xf32>
    %exp3A_44 = math.exp %neg3A_43 : vector<1600x256xf32>
    %add3A_45 = arith.constant 1.000000e+00 : f32
    %add3A_46 = vector.broadcast %add3A_45 : f32 to vector<1600x256xf32>
    %add3A_47 = arith.addf %add3A_46, %exp3A_44 : vector<1600x256xf32>
    %div3A_48 = arith.divf %add3A_40, %add3A_47 : vector<1600x256xf32>
    %mul3A = arith.mulf %div3A_48, %div3A : vector<1600x256xf32>
    %get3A_49 = arith.constant 0 : index
    %get3A_50 = arith.constant 0 : index
    %get3A_51 = vector.load %arg8[%get3A_49, %get3A_50] : memref<256x64xf32, #tpu.memory_space<vmem>>, vector<256x64xf32>
    %dot_general3A_52 = arith.constant dense<0.000000e+00> : vector<1600x64xf32>
    %dot_general3A_53 = tpu.matmul %mul3A, %get3A_51, %dot_general3A_52 {dimension_numbers = #tpu.dot_dimension_numbers<[1], [0], [0], [1], [0, 0, 1, 1], [], []>, transpose_lhs_hint = false} : vector<1600x256xf32>, vector<256x64xf32>, vector<1600x64xf32> -> vector<1600x64xf32>
    %neg3A_54 = arith.constant 0.000000e+00 : f32
    %neg3A_55 = vector.broadcast %neg3A_54 : f32 to vector<1600x64xf32>
    %neg3A_56 = arith.subf %neg3A_55, %dot_general3A_53 : vector<1600x64xf32>
    %exp3A_57 = math.exp %neg3A_56 : vector<1600x64xf32>
    %add3A_58 = arith.constant 1.000000e+00 : f32
    %add3A_59 = vector.broadcast %add3A_58 : f32 to vector<1600x64xf32>
    %add3A_60 = arith.addf %add3A_59, %exp3A_57 : vector<1600x64xf32>
    %div3A_61 = arith.divf %dot_general3A_53, %add3A_60 : vector<1600x64xf32>
    %swap3A = arith.constant 0 : index
    %swap3A_62 = arith.constant 0 : index
    %swap3A_63 = vector.load %arg10[%swap3A, %swap3A_62] : memref<1600x64xf32, #tpu.memory_space<vmem>>, vector<1600x64xf32>
    tpu.vector_store %arg10[%swap3A, %swap3A_62], %div3A_61 {strides = array<i32>} : memref<1600x64xf32, #tpu.memory_space<vmem>>, vector<1600x64xf32>,
    %swap3A_64 = arith.constant 0 : index
    %swap3A_65 = arith.constant 0 : index
    %swap3A_66 = vector.load %arg9[%swap3A_64, %swap3A_65] : memref<1600x256xf32, #tpu.memory_space<vmem>>, vector<1600x256xf32>
    tpu.vector_store %arg9[%swap3A_64, %swap3A_65], %div3A_30 {strides = array<i32>} : memref<1600x256xf32, #tpu.memory_space<vmem>>, vector<1600x256xf32>,
    return
  }
  func.func @transform_0(%arg0: i32) -> (i32, i32) {
    %c0_i32 = arith.constant 0 : i32
    %c0_i32_0 = arith.constant 0 : i32
    return %arg0, %c0_i32 : i32, i32
  }
  func.func @transform_1(%arg0: i32) -> (i32, i32) {
    %c0_i32 = arith.constant 0 : i32
    %c0_i32_0 = arith.constant 0 : i32
    return %arg0, %c0_i32 : i32, i32
  }
  func.func @transform_2(%arg0: i32) -> (i32, i32) {
    %c0_i32 = arith.constant 0 : i32
    %c0_i32_0 = arith.constant 0 : i32
    %c0_i32_1 = arith.constant 0 : i32
    return %c0_i32, %c0_i32_0 : i32, i32
  }
  func.func @transform_3(%arg0: i32) -> (i32, i32) {
    %c0_i32 = arith.constant 0 : i32
    %c0_i32_0 = arith.constant 0 : i32
    %c0_i32_1 = arith.constant 0 : i32
    return %c0_i32, %c0_i32_0 : i32, i32
  }
  func.func @transform_4(%arg0: i32) -> (i32, i32) {
    %c0_i32 = arith.constant 0 : i32
    %c0_i32_0 = arith.constant 0 : i32
    %c0_i32_1 = arith.constant 0 : i32
    return %c0_i32, %c0_i32_0 : i32, i32
  }
  func.func @transform_5(%arg0: i32) -> (i32, i32) {
    %c0_i32 = arith.constant 0 : i32
    %c0_i32_0 = arith.constant 0 : i32
    %c0_i32_1 = arith.constant 0 : i32
    return %c0_i32, %c0_i32_0 : i32, i32
  }
  func.func @transform_6(%arg0: i32) -> (i32, i32) {
    %c0_i32 = arith.constant 0 : i32
    %c0_i32_0 = arith.constant 0 : i32
    %c0_i32_1 = arith.constant 0 : i32
    return %c0_i32, %c0_i32_0 : i32, i32
  }
  func.func @transform_7(%arg0: i32) -> (i32, i32) {
    %c0_i32 = arith.constant 0 : i32
    %c0_i32_0 = arith.constant 0 : i32
    %c0_i32_1 = arith.constant 0 : i32
    return %c0_i32, %c0_i32_0 : i32, i32
  }
  func.func @transform_8(%arg0: i32) -> (i32, i32) {
    %c0_i32 = arith.constant 0 : i32
    %c0_i32_0 = arith.constant 0 : i32
    return %arg0, %c0_i32 : i32, i32
  }
  func.func @transform_9(%arg0: i32) -> (i32, i32) {
    %c0_i32 = arith.constant 0 : i32
    %c0_i32_0 = arith.constant 0 : i32
    return %arg0, %c0_i32 : i32, i32
  }
}

module attributes {stable_mosaic.version = 14 : i64} {
  func.func @_k2_body(%arg0: i32, %arg1: memref<3200x42xf32, #tpu.memory_space<vmem>>, %arg2: memref<42x64xf32, #tpu.memory_space<vmem>>, %arg3: memref<3200x64xf32, #tpu.memory_space<vmem>>) attributes {dimension_semantics = [#tpu.dimension_semantics<arbitrary>], iteration_bounds = array<i64: 200>, scalar_prefetch = 0 : i64, scratch_operands = 0 : i64, tpu.core_type = #tpu.core_type<tc>, window_params = [{transform_indices = @transform_0, window_bounds = array<i64: 3200, 42>}, {pipeline_mode = #tpu.pipeline_mode<synchronous>, transform_indices = @transform_1, window_bounds = array<i64: 42, 64>}, {transform_indices = @transform_2, window_bounds = array<i64: 3200, 64>}]} {
    %get3A = arith.constant 0 : index
    %get3A_0 = arith.constant 0 : index
    %get3A_1 = vector.load %arg1[%get3A, %get3A_0] : memref<3200x42xf32, #tpu.memory_space<vmem>>, vector<3200x42xf32>
    %get3A_2 = arith.constant 0 : index
    %get3A_3 = arith.constant 0 : index
    %get3A_4 = vector.load %arg2[%get3A_2, %get3A_3] : memref<42x64xf32, #tpu.memory_space<vmem>>, vector<42x64xf32>
    %dot_general3A = arith.constant dense<0.000000e+00> : vector<3200x64xf32>
    %dot_general3A_5 = tpu.matmul %get3A_1, %get3A_4, %dot_general3A {dimension_numbers = #tpu.dot_dimension_numbers<[1], [0], [0], [1], [0, 0, 1, 1], [], []>, transpose_lhs_hint = false} : vector<3200x42xf32>, vector<42x64xf32>, vector<3200x64xf32> -> vector<3200x64xf32>
    %neg3A = arith.constant 0.000000e+00 : f32
    %neg3A_6 = vector.broadcast %neg3A : f32 to vector<3200x64xf32>
    %neg3A_7 = arith.subf %neg3A_6, %dot_general3A_5 : vector<3200x64xf32>
    %exp3A = math.exp %neg3A_7 : vector<3200x64xf32>
    %add3A = arith.constant 1.000000e+00 : f32
    %add3A_8 = vector.broadcast %add3A : f32 to vector<3200x64xf32>
    %add3A_9 = arith.addf %add3A_8, %exp3A : vector<3200x64xf32>
    %div3A = arith.divf %dot_general3A_5, %add3A_9 : vector<3200x64xf32>
    %swap3A = arith.constant 0 : index
    %swap3A_10 = arith.constant 0 : index
    %swap3A_11 = vector.load %arg3[%swap3A, %swap3A_10] : memref<3200x64xf32, #tpu.memory_space<vmem>>, vector<3200x64xf32>
    tpu.vector_store %arg3[%swap3A, %swap3A_10], %div3A {strides = array<i32>} : memref<3200x64xf32, #tpu.memory_space<vmem>>, vector<3200x64xf32>,
    return
  }
  func.func @transform_0(%arg0: i32) -> (i32, i32) {
    %c0_i32 = arith.constant 0 : i32
    %c0_i32_0 = arith.constant 0 : i32
    return %arg0, %c0_i32 : i32, i32
  }
  func.func @transform_1(%arg0: i32) -> (i32, i32) {
    %c0_i32 = arith.constant 0 : i32
    %c0_i32_0 = arith.constant 0 : i32
    %c0_i32_1 = arith.constant 0 : i32
    return %c0_i32, %c0_i32_0 : i32, i32
  }
  func.func @transform_2(%arg0: i32) -> (i32, i32) {
    %c0_i32 = arith.constant 0 : i32
    %c0_i32_0 = arith.constant 0 : i32
    return %arg0, %c0_i32 : i32, i32
  }
}

module attributes {stable_mosaic.version = 14 : i64} {
  func.func @_k3b_body(%arg0: i32, %arg1: memref<1600x256xf32, #tpu.memory_space<vmem>>, %arg2: memref<1600x256xf32, #tpu.memory_space<vmem>>, %arg3: memref<1600x64xf32, #tpu.memory_space<vmem>>, %arg4: memref<64x256xf32, #tpu.memory_space<vmem>>, %arg5: memref<256x256xf32, #tpu.memory_space<vmem>>, %arg6: memref<1x256xf32, #tpu.memory_space<vmem>>, %arg7: memref<256x256xf32, #tpu.memory_space<vmem>>, %arg8: memref<1x256xf32, #tpu.memory_space<vmem>>, %arg9: memref<256x256xf32, #tpu.memory_space<vmem>>, %arg10: memref<1x256xf32, #tpu.memory_space<vmem>>, %arg11: memref<256x256xf32, #tpu.memory_space<vmem>>, %arg12: memref<1x256xf32, #tpu.memory_space<vmem>>, %arg13: memref<256x256xf32, #tpu.memory_space<vmem>>, %arg14: memref<1x256xf32, #tpu.memory_space<vmem>>, %arg15: memref<256x256xf32, #tpu.memory_space<vmem>>, %arg16: memref<1x256xf32, #tpu.memory_space<vmem>>, %arg17: memref<1600x256xf32, #tpu.memory_space<vmem>>) attributes {dimension_semantics = [#tpu.dimension_semantics<arbitrary>], iteration_bounds = array<i64: 100>, scalar_prefetch = 0 : i64, scratch_operands = 0 : i64, tpu.core_type = #tpu.core_type<tc>, window_params = [{transform_indices = @transform_0, window_bounds = array<i64: 1600, 256>}, {transform_indices = @transform_1, window_bounds = array<i64: 1600, 256>}, {transform_indices = @transform_2, window_bounds = array<i64: 1600, 64>}, {pipeline_mode = #tpu.pipeline_mode<synchronous>, transform_indices = @transform_3, window_bounds = array<i64: 64, 256>}, {pipeline_mode = #tpu.pipeline_mode<synchronous>, transform_indices = @transform_4, window_bounds = array<i64: 256, 256>}, {pipeline_mode = #tpu.pipeline_mode<synchronous>, transform_indices = @transform_5, window_bounds = array<i64: 1, 256>}, {pipeline_mode = #tpu.pipeline_mode<synchronous>, transform_indices = @transform_6, window_bounds = array<i64: 256, 256>}, {pipeline_mode = #tpu.pipeline_mode<synchronous>, transform_indices = @transform_7, window_bounds = array<i64: 1, 256>}, {pipeline_mode = #tpu.pipeline_mode<synchronous>, transform_indices = @transform_8, window_bounds = array<i64: 256, 256>}, {pipeline_mode = #tpu.pipeline_mode<synchronous>, transform_indices = @transform_9, window_bounds = array<i64: 1, 256>}, {pipeline_mode = #tpu.pipeline_mode<synchronous>, transform_indices = @transform_10, window_bounds = array<i64: 256, 256>}, {pipeline_mode = #tpu.pipeline_mode<synchronous>, transform_indices = @transform_11, window_bounds = array<i64: 1, 256>}, {pipeline_mode = #tpu.pipeline_mode<synchronous>, transform_indices = @transform_12, window_bounds = array<i64: 256, 256>}, {pipeline_mode = #tpu.pipeline_mode<synchronous>, transform_indices = @transform_13, window_bounds = array<i64: 1, 256>}, {pipeline_mode = #tpu.pipeline_mode<synchronous>, transform_indices = @transform_14, window_bounds = array<i64: 256, 256>}, {pipeline_mode = #tpu.pipeline_mode<synchronous>, transform_indices = @transform_15, window_bounds = array<i64: 1, 256>}, {transform_indices = @transform_16, window_bounds = array<i64: 1600, 256>}]} {
    %get3A = arith.constant 0 : index
    %get3A_0 = arith.constant 0 : index
    %get3A_1 = vector.load %arg3[%get3A, %get3A_0] : memref<1600x64xf32, #tpu.memory_space<vmem>>, vector<1600x64xf32>
    %get3A_2 = arith.constant 0 : index
    %get3A_3 = arith.constant 0 : index
    %get3A_4 = vector.load %arg4[%get3A_2, %get3A_3] : memref<64x256xf32, #tpu.memory_space<vmem>>, vector<64x256xf32>
    %dot_general3A = arith.constant dense<0.000000e+00> : vector<1600x256xf32>
    %dot_general3A_5 = tpu.matmul %get3A_1, %get3A_4, %dot_general3A {dimension_numbers = #tpu.dot_dimension_numbers<[1], [0], [0], [1], [0, 0, 1, 1], [], []>, transpose_lhs_hint = false} : vector<1600x64xf32>, vector<64x256xf32>, vector<1600x256xf32> -> vector<1600x256xf32>
    %neg3A = arith.constant 0.000000e+00 : f32
    %neg3A_6 = vector.broadcast %neg3A : f32 to vector<1600x256xf32>
    %neg3A_7 = arith.subf %neg3A_6, %dot_general3A_5 : vector<1600x256xf32>
    %exp3A = math.exp %neg3A_7 : vector<1600x256xf32>
    %add3A = arith.constant 1.000000e+00 : f32
    %add3A_8 = vector.broadcast %add3A : f32 to vector<1600x256xf32>
    %add3A_9 = arith.addf %add3A_8, %exp3A : vector<1600x256xf32>
    %div3A = arith.divf %dot_general3A_5, %add3A_9 : vector<1600x256xf32>
    %get3A_10 = arith.constant 0 : index
    %get3A_11 = arith.constant 0 : index
    %get3A_12 = vector.load %arg2[%get3A_10, %get3A_11] : memref<1600x256xf32, #tpu.memory_space<vmem>>, vector<1600x256xf32>
    %add3A_13 = arith.addf %get3A_12, %div3A : vector<1600x256xf32>
    %get3A_14 = arith.constant 0 : index
    %get3A_15 = arith.constant 0 : index
    %get3A_16 = vector.load %arg5[%get3A_14, %get3A_15] : memref<256x256xf32, #tpu.memory_space<vmem>>, vector<256x256xf32>
    %dot_general3A_17 = arith.constant dense<0.000000e+00> : vector<1600x256xf32>
    %dot_general3A_18 = tpu.matmul %add3A_13, %get3A_16, %dot_general3A_17 {dimension_numbers = #tpu.dot_dimension_numbers<[1], [0], [0], [1], [0, 0, 1, 1], [], []>, transpose_lhs_hint = false} : vector<1600x256xf32>, vector<256x256xf32>, vector<1600x256xf32> -> vector<1600x256xf32>
    %get3A_19 = arith.constant 0 : index
    %get3A_20 = arith.constant 0 : index
    %get3A_21 = vector.load %arg6[%get3A_19, %get3A_20] : memref<1x256xf32, #tpu.memory_space<vmem>>, vector<1x256xf32>
    %add3A_22 = vector.broadcast %get3A_21 : vector<1x256xf32> to vector<1600x256xf32>
    %add3A_23 = arith.addf %dot_general3A_18, %add3A_22 : vector<1600x256xf32>
    %neg3A_24 = arith.constant 0.000000e+00 : f32
    %neg3A_25 = vector.broadcast %neg3A_24 : f32 to vector<1600x256xf32>
    %neg3A_26 = arith.subf %neg3A_25, %add3A_23 : vector<1600x256xf32>
    %exp3A_27 = math.exp %neg3A_26 : vector<1600x256xf32>
    %add3A_28 = arith.constant 1.000000e+00 : f32
    %add3A_29 = vector.broadcast %add3A_28 : f32 to vector<1600x256xf32>
    %add3A_30 = arith.addf %add3A_29, %exp3A_27 : vector<1600x256xf32>
    %div3A_31 = arith.divf %add3A_23, %add3A_30 : vector<1600x256xf32>
    %get3A_32 = arith.constant 0 : index
    %get3A_33 = arith.constant 0 : index
    %get3A_34 = vector.load %arg7[%get3A_32, %get3A_33] : memref<256x256xf32, #tpu.memory_space<vmem>>, vector<256x256xf32>
    %dot_general3A_35 = arith.constant dense<0.000000e+00> : vector<1600x256xf32>
    %dot_general3A_36 = tpu.matmul %div3A_31, %get3A_34, %dot_general3A_35 {dimension_numbers = #tpu.dot_dimension_numbers<[1], [0], [0], [1], [0, 0, 1, 1], [], []>, transpose_lhs_hint = false} : vector<1600x256xf32>, vector<256x256xf32>, vector<1600x256xf32> -> vector<1600x256xf32>
    %get3A_37 = arith.constant 0 : index
    %get3A_38 = arith.constant 0 : index
    %get3A_39 = vector.load %arg8[%get3A_37, %get3A_38] : memref<1x256xf32, #tpu.memory_space<vmem>>, vector<1x256xf32>
    %add3A_40 = vector.broadcast %get3A_39 : vector<1x256xf32> to vector<1600x256xf32>
    %add3A_41 = arith.addf %dot_general3A_36, %add3A_40 : vector<1600x256xf32>
    %neg3A_42 = arith.constant 0.000000e+00 : f32
    %neg3A_43 = vector.broadcast %neg3A_42 : f32 to vector<1600x256xf32>
    %neg3A_44 = arith.subf %neg3A_43, %add3A_41 : vector<1600x256xf32>
    %exp3A_45 = math.exp %neg3A_44 : vector<1600x256xf32>
    %add3A_46 = arith.constant 1.000000e+00 : f32
    %add3A_47 = vector.broadcast %add3A_46 : f32 to vector<1600x256xf32>
    %add3A_48 = arith.addf %add3A_47, %exp3A_45 : vector<1600x256xf32>
    %div3A_49 = arith.divf %add3A_41, %add3A_48 : vector<1600x256xf32>
    %add3A_50 = arith.addf %add3A_13, %div3A_49 : vector<1600x256xf32>
    %get3A_51 = arith.constant 0 : index
    %get3A_52 = arith.constant 0 : index
    %get3A_53 = vector.load %arg1[%get3A_51, %get3A_52] : memref<1600x256xf32, #tpu.memory_space<vmem>>, vector<1600x256xf32>
    %add3A_54 = arith.addf %add3A_50, %get3A_53 : vector<1600x256xf32>
    %get3A_55 = arith.constant 0 : index
    %get3A_56 = arith.constant 0 : index
    %get3A_57 = vector.load %arg9[%get3A_55, %get3A_56] : memref<256x256xf32, #tpu.memory_space<vmem>>, vector<256x256xf32>
    %dot_general3A_58 = arith.constant dense<0.000000e+00> : vector<1600x256xf32>
    %dot_general3A_59 = tpu.matmul %add3A_54, %get3A_57, %dot_general3A_58 {dimension_numbers = #tpu.dot_dimension_numbers<[1], [0], [0], [1], [0, 0, 1, 1], [], []>, transpose_lhs_hint = false} : vector<1600x256xf32>, vector<256x256xf32>, vector<1600x256xf32> -> vector<1600x256xf32>
    %get3A_60 = arith.constant 0 : index
    %get3A_61 = arith.constant 0 : index
    %get3A_62 = vector.load %arg10[%get3A_60, %get3A_61] : memref<1x256xf32, #tpu.memory_space<vmem>>, vector<1x256xf32>
    %add3A_63 = vector.broadcast %get3A_62 : vector<1x256xf32> to vector<1600x256xf32>
    %add3A_64 = arith.addf %dot_general3A_59, %add3A_63 : vector<1600x256xf32>
    %neg3A_65 = arith.constant 0.000000e+00 : f32
    %neg3A_66 = vector.broadcast %neg3A_65 : f32 to vector<1600x256xf32>
    %neg3A_67 = arith.subf %neg3A_66, %add3A_64 : vector<1600x256xf32>
    %exp3A_68 = math.exp %neg3A_67 : vector<1600x256xf32>
    %add3A_69 = arith.constant 1.000000e+00 : f32
    %add3A_70 = vector.broadcast %add3A_69 : f32 to vector<1600x256xf32>
    %add3A_71 = arith.addf %add3A_70, %exp3A_68 : vector<1600x256xf32>
    %div3A_72 = arith.divf %add3A_64, %add3A_71 : vector<1600x256xf32>
    %get3A_73 = arith.constant 0 : index
    %get3A_74 = arith.constant 0 : index
    %get3A_75 = vector.load %arg11[%get3A_73, %get3A_74] : memref<256x256xf32, #tpu.memory_space<vmem>>, vector<256x256xf32>
    %dot_general3A_76 = arith.constant dense<0.000000e+00> : vector<1600x256xf32>
    %dot_general3A_77 = tpu.matmul %div3A_72, %get3A_75, %dot_general3A_76 {dimension_numbers = #tpu.dot_dimension_numbers<[1], [0], [0], [1], [0, 0, 1, 1], [], []>, transpose_lhs_hint = false} : vector<1600x256xf32>, vector<256x256xf32>, vector<1600x256xf32> -> vector<1600x256xf32>
    %get3A_78 = arith.constant 0 : index
    %get3A_79 = arith.constant 0 : index
    %get3A_80 = vector.load %arg12[%get3A_78, %get3A_79] : memref<1x256xf32, #tpu.memory_space<vmem>>, vector<1x256xf32>
    %add3A_81 = vector.broadcast %get3A_80 : vector<1x256xf32> to vector<1600x256xf32>
    %add3A_82 = arith.addf %dot_general3A_77, %add3A_81 : vector<1600x256xf32>
    %neg3A_83 = arith.constant 0.000000e+00 : f32
    %neg3A_84 = vector.broadcast %neg3A_83 : f32 to vector<1600x256xf32>
    %neg3A_85 = arith.subf %neg3A_84, %add3A_82 : vector<1600x256xf32>
    %exp3A_86 = math.exp %neg3A_85 : vector<1600x256xf32>
    %add3A_87 = arith.constant 1.000000e+00 : f32
    %add3A_88 = vector.broadcast %add3A_87 : f32 to vector<1600x256xf32>
    %add3A_89 = arith.addf %add3A_88, %exp3A_86 : vector<1600x256xf32>
    %div3A_90 = arith.divf %add3A_82, %add3A_89 : vector<1600x256xf32>
    %add3A_91 = arith.addf %add3A_54, %div3A_90 : vector<1600x256xf32>
    %get3A_92 = arith.constant 0 : index
    %get3A_93 = arith.constant 0 : index
    %get3A_94 = vector.load %arg13[%get3A_92, %get3A_93] : memref<256x256xf32, #tpu.memory_space<vmem>>, vector<256x256xf32>
    %dot_general3A_95 = arith.constant dense<0.000000e+00> : vector<1600x256xf32>
    %dot_general3A_96 = tpu.matmul %add3A_91, %get3A_94, %dot_general3A_95 {dimension_numbers = #tpu.dot_dimension_numbers<[1], [0], [0], [1], [0, 0, 1, 1], [], []>, transpose_lhs_hint = false} : vector<1600x256xf32>, vector<256x256xf32>, vector<1600x256xf32> -> vector<1600x256xf32>
    %get3A_97 = arith.constant 0 : index
    %get3A_98 = arith.constant 0 : index
    %get3A_99 = vector.load %arg14[%get3A_97, %get3A_98] : memref<1x256xf32, #tpu.memory_space<vmem>>, vector<1x256xf32>
    %add3A_100 = vector.broadcast %get3A_99 : vector<1x256xf32> to vector<1600x256xf32>
    %add3A_101 = arith.addf %dot_general3A_96, %add3A_100 : vector<1600x256xf32>
    %neg3A_102 = arith.constant 0.000000e+00 : f32
    %neg3A_103 = vector.broadcast %neg3A_102 : f32 to vector<1600x256xf32>
    %neg3A_104 = arith.subf %neg3A_103, %add3A_101 : vector<1600x256xf32>
    %exp3A_105 = math.exp %neg3A_104 : vector<1600x256xf32>
    %add3A_106 = arith.constant 1.000000e+00 : f32
    %add3A_107 = vector.broadcast %add3A_106 : f32 to vector<1600x256xf32>
    %add3A_108 = arith.addf %add3A_107, %exp3A_105 : vector<1600x256xf32>
    %div3A_109 = arith.divf %add3A_101, %add3A_108 : vector<1600x256xf32>
    %get3A_110 = arith.constant 0 : index
    %get3A_111 = arith.constant 0 : index
    %get3A_112 = vector.load %arg15[%get3A_110, %get3A_111] : memref<256x256xf32, #tpu.memory_space<vmem>>, vector<256x256xf32>
    %dot_general3A_113 = arith.constant dense<0.000000e+00> : vector<1600x256xf32>
    %dot_general3A_114 = tpu.matmul %div3A_109, %get3A_112, %dot_general3A_113 {dimension_numbers = #tpu.dot_dimension_numbers<[1], [0], [0], [1], [0, 0, 1, 1], [], []>, transpose_lhs_hint = false} : vector<1600x256xf32>, vector<256x256xf32>, vector<1600x256xf32> -> vector<1600x256xf32>
    %get3A_115 = arith.constant 0 : index
    %get3A_116 = arith.constant 0 : index
    %get3A_117 = vector.load %arg16[%get3A_115, %get3A_116] : memref<1x256xf32, #tpu.memory_space<vmem>>, vector<1x256xf32>
    %add3A_118 = vector.broadcast %get3A_117 : vector<1x256xf32> to vector<1600x256xf32>
    %add3A_119 = arith.addf %dot_general3A_114, %add3A_118 : vector<1600x256xf32>
    %neg3A_120 = arith.constant 0.000000e+00 : f32
    %neg3A_121 = vector.broadcast %neg3A_120 : f32 to vector<1600x256xf32>
    %neg3A_122 = arith.subf %neg3A_121, %add3A_119 : vector<1600x256xf32>
    %exp3A_123 = math.exp %neg3A_122 : vector<1600x256xf32>
    %add3A_124 = arith.constant 1.000000e+00 : f32
    %add3A_125 = vector.broadcast %add3A_124 : f32 to vector<1600x256xf32>
    %add3A_126 = arith.addf %add3A_125, %exp3A_123 : vector<1600x256xf32>
    %div3A_127 = arith.divf %add3A_119, %add3A_126 : vector<1600x256xf32>
    %add3A_128 = arith.addf %add3A_91, %div3A_127 : vector<1600x256xf32>
    %swap3A = arith.constant 0 : index
    %swap3A_129 = arith.constant 0 : index
    %swap3A_130 = vector.load %arg17[%swap3A, %swap3A_129] : memref<1600x256xf32, #tpu.memory_space<vmem>>, vector<1600x256xf32>
    tpu.vector_store %arg17[%swap3A, %swap3A_129], %add3A_128 {strides = array<i32>} : memref<1600x256xf32, #tpu.memory_space<vmem>>, vector<1600x256xf32>,
    return
  }
  func.func @transform_0(%arg0: i32) -> (i32, i32) {
    %c0_i32 = arith.constant 0 : i32
    %c0_i32_0 = arith.constant 0 : i32
    return %arg0, %c0_i32 : i32, i32
  }
  func.func @transform_1(%arg0: i32) -> (i32, i32) {
    %c0_i32 = arith.constant 0 : i32
    %c0_i32_0 = arith.constant 0 : i32
    return %arg0, %c0_i32 : i32, i32
  }
  func.func @transform_2(%arg0: i32) -> (i32, i32) {
    %c0_i32 = arith.constant 0 : i32
    %c0_i32_0 = arith.constant 0 : i32
    return %arg0, %c0_i32 : i32, i32
  }
  func.func @transform_3(%arg0: i32) -> (i32, i32) {
    %c0_i32 = arith.constant 0 : i32
    %c0_i32_0 = arith.constant 0 : i32
    %c0_i32_1 = arith.constant 0 : i32
    return %c0_i32, %c0_i32_0 : i32, i32
  }
  func.func @transform_4(%arg0: i32) -> (i32, i32) {
    %c0_i32 = arith.constant 0 : i32
    %c0_i32_0 = arith.constant 0 : i32
    %c0_i32_1 = arith.constant 0 : i32
    return %c0_i32, %c0_i32_0 : i32, i32
  }
  func.func @transform_5(%arg0: i32) -> (i32, i32) {
    %c0_i32 = arith.constant 0 : i32
    %c0_i32_0 = arith.constant 0 : i32
    %c0_i32_1 = arith.constant 0 : i32
    return %c0_i32, %c0_i32_0 : i32, i32
  }
  func.func @transform_6(%arg0: i32) -> (i32, i32) {
    %c0_i32 = arith.constant 0 : i32
    %c0_i32_0 = arith.constant 0 : i32
    %c0_i32_1 = arith.constant 0 : i32
    return %c0_i32, %c0_i32_0 : i32, i32
  }
  func.func @transform_7(%arg0: i32) -> (i32, i32) {
    %c0_i32 = arith.constant 0 : i32
    %c0_i32_0 = arith.constant 0 : i32
    %c0_i32_1 = arith.constant 0 : i32
    return %c0_i32, %c0_i32_0 : i32, i32
  }
  func.func @transform_8(%arg0: i32) -> (i32, i32) {
    %c0_i32 = arith.constant 0 : i32
    %c0_i32_0 = arith.constant 0 : i32
    %c0_i32_1 = arith.constant 0 : i32
    return %c0_i32, %c0_i32_0 : i32, i32
  }
  func.func @transform_9(%arg0: i32) -> (i32, i32) {
    %c0_i32 = arith.constant 0 : i32
    %c0_i32_0 = arith.constant 0 : i32
    %c0_i32_1 = arith.constant 0 : i32
    return %c0_i32, %c0_i32_0 : i32, i32
  }
  func.func @transform_10(%arg0: i32) -> (i32, i32) {
    %c0_i32 = arith.constant 0 : i32
    %c0_i32_0 = arith.constant 0 : i32
    %c0_i32_1 = arith.constant 0 : i32
    return %c0_i32, %c0_i32_0 : i32, i32
  }
  func.func @transform_11(%arg0: i32) -> (i32, i32) {
    %c0_i32 = arith.constant 0 : i32
    %c0_i32_0 = arith.constant 0 : i32
    %c0_i32_1 = arith.constant 0 : i32
    return %c0_i32, %c0_i32_0 : i32, i32
  }
  func.func @transform_12(%arg0: i32) -> (i32, i32) {
    %c0_i32 = arith.constant 0 : i32
    %c0_i32_0 = arith.constant 0 : i32
    %c0_i32_1 = arith.constant 0 : i32
    return %c0_i32, %c0_i32_0 : i32, i32
  }
  func.func @transform_13(%arg0: i32) -> (i32, i32) {
    %c0_i32 = arith.constant 0 : i32
    %c0_i32_0 = arith.constant 0 : i32
    %c0_i32_1 = arith.constant 0 : i32
    return %c0_i32, %c0_i32_0 : i32, i32
  }
  func.func @transform_14(%arg0: i32) -> (i32, i32) {
    %c0_i32 = arith.constant 0 : i32
    %c0_i32_0 = arith.constant 0 : i32
    %c0_i32_1 = arith.constant 0 : i32
    return %c0_i32, %c0_i32_0 : i32, i32
  }
  func.func @transform_15(%arg0: i32) -> (i32, i32) {
    %c0_i32 = arith.constant 0 : i32
    %c0_i32_0 = arith.constant 0 : i32
    %c0_i32_1 = arith.constant 0 : i32
    return %c0_i32, %c0_i32_0 : i32, i32
  }
  func.func @transform_16(%arg0: i32) -> (i32, i32) {
    %c0_i32 = arith.constant 0 : i32
    %c0_i32_0 = arith.constant 0 : i32
    return %arg0, %c0_i32 : i32, i32
  }
}

</mosaic_0001>

<sc_bundles>
// kernel: kernel.6.cloned.1.call-start
scs
__scs_entry_jumppad:
0x0: {  	(pc) =	sbr.rel $0x88, $3  }
0x1: {  	(tag) =	ssettag $0x0;
	lr =	simm.s32 $0x1  }
0x2: {  	[smem:$0x3F88] =	sst lr;
	_ =	strace $0xD0000000  }
0x3: {  	_ = 	snop  }
0x4: {  	_ = 	snop  }
0x5: {  	_ = 	snop  }
0x6: {  	_ = 	snop  }
0x7: {  	_ = 	snop  }
__scs_overlays_trampoline_lowered:
0x8: {  	[smem:$0x3F97] =	sst s0  }
0x9: {  	[smem:$0x3F98] =	sst s1  }
0xa: {  	[smem:$0x3F99] =	sst s2  }
0xb: {  	[smem:$0x3F9A] =	sst s3  }
0xc: {  	[smem:$0x3F9B] =	sst s4  }
0xd: {  	[smem:$0x3F9C] =	sst s5  }
0xe: {  	[smem:$0x3F9D] =	sst s6  }
0xf: {  	[smem:$0x3F9E] =	sst s7  }
0x10: {  	[smem:$0x3F9F] =	sst s8  }
0x11: {  	[smem:$0x3FA0] =	sst s9;
	s0 =	simm.s32 @!p0 $0x0  }
0x12: {  	s1 =	sld [smem:$0x3F86];
	s0 =	simm.s32 @p0 $0x1  }
0x13: {  	[smem:$0x3FA1] =	sst s0;
	s0 =	simm.s32 @!p1 $0x0  }
0x14: {  	s2 =	sld [smem:$0x3F85];
	s0 =	simm.s32 @p1 $0x1  }
0x15: {  	[smem:$0x3FA2] =	sst s0;
	s0 =	simm.s32 @!p2 $0x0  }
0x16: {  	s3 =	sld [smem:$0x3FDB];
	s0 =	simm.s32 @p2 $0x1  }
0x17: {  	s4 =	simm.s32 $0x1BF5;
	[smem:$0x3FA4] =	sst s0  }
0x18: {  	s0 =	sld [smem:$0x3F87];
	_ =	swait.ge [sflag:s4], $0x0  }
0x19: {  	s7 =	sld [smem:$0x3F88]  }
0x1a: {  	s8 =	sadd.s32 $0xFFFFE003, lr  }
0x1b: {  	s9 =	sadd.s32 $0xFFFFFEF7, lr;
	s5 =	simm.s32 $0xFFFFFFFF;
	p2 =	slt.u32 s8, $0xFFFFF086  }
0x1c: {  	p1 =	slt.u32 s9, $0xF7A;
	s5 =	simm.s32 @!p2 $0x0  }
0x1d: {  	s5 =	simm.s32 @p1 $0x1;
	p0 =	seq.s32 s7, s2  }
0x1e: {  	s7 =	smul.u32 @!p0 $0xF7A, s2;
	p2 =	seq.s32 @!p0 s5, $0x0  }
0x1f: {  	s9 =	smul.u32 $0xF7A, s1;
	s8 =	simm.s32 @!p0 $0x1BF5;
	p2 =	por !p2, p0  }
0x20: {  	[sflag:s8] =	ssyncset.s32 @!p0 $0xFFFFF086;
	s6 =	sadd.s32 @!p0 s3, s7;
	s7 =	simm.s32 @!p0 $0x108  }
0x21: {  	s3 =	sadd.s32 s3, s9;
	s6 =	sadd.s32 @!p0 $0x88, s6;
	s7 =	simm.s32 @p2 $0x1082  }
0x22: {  	[simem:s7], [sflag:s8] =	dma.local @!p0 [hbm:s6], $0xF7A  }
0x23: {  	s9 =	sor.u32 $0xD0000000, s2;
	s6 =	simm.s32 $0x108;
	_ =	swait.ge @!p0 [sflag:s8], $0x0  }
0x24: {  	s3 =	sadd.s32 $0x88, s3;
	s6 =	simm.s32 @!p1 $0x1082;
	[sflag:s4] =	ssyncset.s32 $0xFFFFF086  }
0x25: {  	[simem:s6], [sflag:s4] =	dma.local [hbm:s3], $0xF7A  }
0x26: {  	[smem:$0x3F88] =	sst s1;
	(tag) =	ssettag s2;
	_ =	strace s9  }
0x27: {  	s1 =	sld [smem:$0x3F98]  }
0x28: {  	s2 =	sld [smem:$0x3F99]  }
0x29: {  	s4 =	sld [smem:$0x3F9B]  }
0x2a: {  	p0 =	seq.s32 s5, $0x0;
	s5 =	sld [smem:$0x3F9C]  }
0x2b: {  	s6 =	sld [smem:$0x3F9D]  }
0x2c: {  	s7 =	sld [smem:$0x3F9E]  }
0x2d: {  	s3 =	simm.s32 $0x108;
	s8 =	sld [smem:$0x3F9F]  }
0x2e: {  	s3 =	simm.s32 @!p0 $0x1082;
	s9 =	sld [smem:$0x3FA0]  }
0x2f: {  	lr =	sadd.s32 s0, s3;
	s0 =	sld [smem:$0x3F97]  }
0x30: {  	s3 =	sld [smem:$0x3F9A]  }
0x31: {  	[smem:$0x3FA3] =	sst s10  }
0x32: {  	s10 =	sld [smem:$0x3FA1];
	_ =	sdelay $0x3  }
0x33: {  	p0 =	seq.s32 s10, $0x1;
	s10 =	sld [smem:$0x3FA3];
	_ =	sdelay $0x3  }
0x34: {  	[smem:$0x3FA3] =	sst s10  }
0x35: {  	s10 =	sld [smem:$0x3FA2];
	_ =	sdelay $0x3  }
0x36: {  	p1 =	seq.s32 s10, $0x1;
	s10 =	sld [smem:$0x3FA3];
	_ =	sdelay $0x3  }
0x37: {  	[smem:$0x3FA3] =	sst s10  }
0x38: {  	s10 =	sld [smem:$0x3FA4]  }
0x39: {  	_ = 	snop;
	(pc) =	sbr.ind lr, $3  }
0x3a: {  	_ = 	snop  }
0x3b: {  	_ = 	snop  }
0x3c: {  	p2 =	seq.s32 s10, $0x1;
	s10 =	sld [smem:$0x3FA3]  }
0x3d: {  	_ =	shalt  }
0x3e: {  	_ =	shalt  }
0x3f: {  	_ =	shalt  }
0x40: {  	_ =	shalt  }
0x41: {  	_ =	shalt  }
0x42: {  	_ =	shalt  }
0x43: {  	_ =	shalt  }
0x44: {  	_ =	shalt  }
0x45: {  	_ =	shalt  }
0x46: {  	_ =	shalt  }
0x47: {  	_ =	shalt  }
0x48: {  	_ =	shalt  }
0x49: {  	_ =	shalt  }
0x4a: {  	_ =	shalt  }
0x4b: {  	_ =	shalt  }
0x4c: {  	_ =	shalt  }
0x4d: {  	_ =	shalt  }
0x4e: {  	_ =	shalt  }
0x4f: {  	_ =	shalt  }
0x50: {  	_ =	shalt  }
0x51: {  	_ =	shalt  }
0x52: {  	_ =	shalt  }
0x53: {  	_ =	shalt  }
0x54: {  	_ =	shalt  }
0x55: {  	_ =	shalt  }
0x56: {  	_ =	shalt  }
0x57: {  	_ =	shalt  }
0x58: {  	_ =	shalt  }
0x59: {  	_ =	shalt  }
0x5a: {  	_ =	shalt  }
0x5b: {  	_ =	shalt  }
0x5c: {  	_ =	shalt  }
0x5d: {  	_ =	shalt  }
0x5e: {  	_ =	shalt  }
0x5f: {  	_ =	shalt  }
0x60: {  	_ =	shalt  }
0x61: {  	_ =	shalt  }
0x62: {  	_ =	shalt  }
0x63: {  	_ =	shalt  }
0x64: {  	_ =	shalt  }
0x65: {  	_ =	shalt  }
0x66: {  	_ =	shalt  }
0x67: {  	_ =	shalt  }
0x68: {  	_ =	shalt  }
0x69: {  	_ =	shalt  }
0x6a: {  	_ =	shalt  }
0x6b: {  	_ =	shalt  }
0x6c: {  	_ =	shalt  }
0x6d: {  	_ =	shalt  }
0x6e: {  	_ =	shalt  }
0x6f: {  	_ =	shalt  }
0x70: {  	_ =	shalt  }
0x71: {  	_ =	shalt  }
0x72: {  	_ =	shalt  }
0x73: {  	_ =	shalt  }
0x74: {  	_ =	shalt  }
0x75: {  	_ =	shalt  }
0x76: {  	_ =	shalt  }
0x77: {  	_ =	shalt  }
0x78: {  	_ =	shalt  }
0x79: {  	_ =	shalt  }
0x7a: {  	_ =	shalt  }
0x7b: {  	_ =	shalt  }
0x7c: {  	_ =	shalt  }
0x7d: {  	_ =	shalt  }
0x7e: {  	_ =	shalt  }
0x7f: {  	_ =	shalt  }
0x80: {  	_ =	shalt  }
0x81: {  	_ =	shalt  }
0x82: {  	_ =	shalt  }
0x83: {  	_ =	shalt  }
0x84: {  	_ =	shalt  }
0x85: {  	_ =	shalt  }
0x86: {  	_ =	shalt  }
0x87: {  	_ =	shalt  }
.Lfunc_end0:
.L_simem_size_0:
called_computation.1_lowered:
.L_overlay_start_0:
0x88: {  	s2 =	sld [smem:$0x3FD9]  }
0x89: {  	s3 =	sld [smem:$0x3FFE];
	_ =	sdelay $0x1  }
0x8a: {  	s1 =	srdreg.scid  }
0x8b: {  	s0 =	sand.u32 $0x1, s1  }
0x8c: {  	s17 =	sshll.u32 s0, $0xA;
	s2 =	sadd.s32 s3, s2  }
0x8d: {  	s2 =	sadd.s32 s2, s17  }
0x8e: {  	[smem:$0x3FAF] =	sst s2  }
0x8f: {  	_ = 	snop  }
0x90: {  	s2 =	sld [smem:$0x3FC6]  }
0x91: {  	s18 =	sld [smem:$0x3FD0];
	(tm) =	ssettm $0x1  }
0x92: {  	s4 =	sld [smem:$0x3FFB];
	_ =	sdelay $0x3  }
0x93: {  	_ =	strace s4  }
0x94: {  	s4 =	sld [smem:$0x3FFC];
	_ =	sdelay $0x3  }
0x95: {  	_ =	strace s4  }
0x96: {  	s4 =	sld [smem:$0x3FFD];
	_ =	sdelay $0x3  }
0x97: {  	_ =	strace s4  }
0x98: {  	_ =	strace $0x8FFFFFFF  }
0x99: {  	s19 =	sld [smem:$0x3FDB];
	_ =	sdelay $0x1  }
0x9a: {  	s5 =	simm.s32 $_scs_section_size  }
0x9b: {  	s6 =	simm.s32 $_size__tile_overlayer_lowered;
	s7 =	simm.s32 $_tile_overlayer_lowered  }
0x9c: {  	s22 =	simm.s32 $0x1BFF;
	s21 =	sshll.u32 s7, $0x1;
	s4 =	sadd.s32 s5, s19  }
0x9d: {  	s8 =	simm.s32 $0x0;
	s20 =	sshll.u32 s6, $0x1;
	s6 =	sadd.s32 s21, s4  }
0x9e: {  	[timem:s8], [sflag:s22] =	dma.local [hbm:s6], s20  }
0x9f: {  	_ =	swait.ge [sflag:s22], s20  }
0xa0: {  	s5 =	ssub.s32 $0x0, s20;
	[sflag:s22] =	ssyncset.done $0x0  }
0xa1: {  	[sflag:s22] =	ssyncadd.s32 s5;
	_ =	sdelay $0x1  }
0xa2: {  	s23 =	simm.s32 $0x1B8B  }
0xa3: {  	_ =	swait.ge [sflag:s23], $0x1  }
0xa4: {  	[sflag:s23] =	ssyncset.done $0x0  }
0xa5: {  	s25 =	simm.s32 $0x1B8E;
	s24 =	sld [smem:$0x3FFE];
	[sflag:s23] =	ssyncadd.s32 $0xFFFFFFFF  }
0xa6: {  	s26 =	simm.s32 $execute0_lowered;
	[smem:$0x3FD2] =	sst s25  }
0xa7: {  	s6 =	sshll.u32 s26, $0x1;
	_ =	strace $0x80000046;
	[dreg:$0x1] =	wrdreg $0xFFFFFFFF  }
0xa8: {  	s28 =	simm.s32 $_size_execute0_lowered;
	s4 =	sadd.s32 s4, s6;
	[dreg:$0x0] =	wrdreg $0x0  }
0xa9: {  	s6 =	sshll.u32 s28, $0x1;
	[dreg:$0x2] =	wrdreg s4  }
0xaa: {  	[dreg:$0x3] =	wrdreg s6  }
0xab: {  	[dreg:$0x4] =	wrdreg $0xC0  }
0xac: {  	_ =	task [dreg:s8], $0x5FFFF  }
0xad: {  	[dreg:$0x1] =	wrdreg $0xFFFFFFFF  }
0xae: {  	[dreg:$0x0] =	wrdreg $0x60  }
0xaf: {  	[dreg:$0x2] =	wrdreg s24  }
0xb0: {  	[dreg:$0x3] =	wrdreg s18  }
0xb1: {  	[dreg:$0x4] =	wrdreg s2  }
0xb2: {  	[dreg:$0x5] =	wrdreg $0x9  }
0xb3: {  	_ =	task.clear_ibuf [dreg:s8], $0x6FFFF;
	_ =	strace $0x90000046  }
0xb4: {  	s29 =	simm.s32 $0x9;
	_ =	strace $0x80000048  }
0xb5: {  	_ =	swait.ge [sflag:s29], $0x1  }
0xb6: {  	[sflag:s29] =	ssyncadd.s32 $0xFFFFFFFF  }
0xb7: {  	_ =	strace $0x90000048  }
0xb8: {  	_ =	sfence  }
0xb9: {  	s30 =	sld [smem:$0x0];
	_ =	sdelay $0x2  }
0xba: {  	s31 =	sshll.u32 s1, $0xD;
	s1 =	sshrl.u32 s1, $0x2  }
0xbb: {  	s3 =	sand.u32 $0x4000, s31;
	s1 =	sadd.s32 s1, s30  }
0xbc: {  	s0 =	sor.u32 s3, s0;
	s1 =	sshll.u32 s1, $0x11  }
0xbd: {  	s0 =	sor.u32 s1, s0  }
0xbe: {  	s0 =	sadd.s32 $0x8F2B, s0  }
0xbf: {  	[sflag:s0] =	ssyncadd.remote.s32 $0x1  }
0xc0: {  	_ =	sfence.sel $0xFFFF  }
0xc1: {  	[dreg:$0x0] =	wrdreg $0xFFFFFFFF;
	(pc) =	sbr.abs _section_cstart, $3  }
0xc2: {  	[dreg:$0x1] =	wrdreg $0xFFFFFFFF  }
0xc3: {  	_ =	task.clear_ibuf [dreg:s8], $0x2FFFF;
	_ =	strace $0x9FFFFFFF  }
0xc4: {  	(tm) =	ssettm $0x7FFFFFFF  }
0xc5: {  	_ =	shalt  }
tec
execute0_lowered:
.L_overlay_start_1:
0x0: {  	(tag) =	ssettag $0x1  }
0x1: {  	s6 =	rddreg [dreg:$0x0]  }
0x2: {  	s1 =	rddreg [dreg:$0x1]  }
0x3: {  	s2 =	rddreg [dreg:$0x2]  }
0x4: {  	s0 =	rddreg [dreg:$0x3]  }
0x5: {  	s4 =	simm.s32 $0x0;
	s5 =	srdreg.scid;
	s3 =	stileid.u32  }
0x6: {  	s11 =	simm.s32 $0x80;
	s12 =	simm.s32 $0x2080;
	s13 =	simm.s32 $0x0  }
0x7: {  	[smem:$0x7FF] =	sst s4;
	s7 =	sand.u32 $0x1, s5;
	s5 =	sadd.s32 $0x755200, s6  }
0x8: {  	s9 =	sshll.u32 s3, $0x1;
	s6 =	sadd.s32 $0x88DA00, s6;
	s8 =	ssub.s32 $0x2, s7  }
0x9: {  	_ =	strace $0x80000047;
	s9 =	sor.u32 s7, s9;
	s10 =	sshrl.u32 s8, $0x1  }
0xa: {  	s7 =	sshll.u32 s9, $0x7;
	s31 =	ssub.s32 $0x13A7, s9;
	s10 =	ssub.s32 s8, s10  }
0xb: {  	s8 =	sshrl.u32 s31, $0x5;
	s9 =	smax.u32 s10, $0x1;
	s10 =	simm.s32 $0x1  }
.LBB2_1:
0xc: {  	s14 =	simm.s32 $0x0  }
.LBB2_2:
0xd: {  	s15 =	sshll.u32 s14, $0xC  }
0xe: {  	s15 =	sor.u32 s7, s15  }
0xf: {  	s16 =	sshrl.u32 s15, $0x3  }
0x10: {  	s17 =	simm.s32 $0x0;
	s16 =	sadd.s32 s2, s16  }
0x11: {  	[tilespmem:s17], [sflag:$0x1] =	stream.linear.gather [hbm4b:s16+s17], $0x80, $0x38;
	[tilespmem:$0x4080] =	vst v63  }
0x12: {  	_ =	swait.ge [sflag:s10], $0x80  }
0x13: {  	[sflag:s10] =	ssyncset.done $0x0  }
0x14: {  	[sflag:s10] =	ssyncadd.s32 $0xFFFFFF80  }
0x15: {  	[tilespmem:s11], [sflag:$0x1] =	stream.indirect.gather [hbm4b:s5+s11], $0x40, s17, s11, $0xb8;
	[tilespmem:$0x4080] =	vst v63  }
0x16: {  	s15 =	sshll.u32 s15, $0x3;
	_ =	swait.ge [sflag:s10], $0x2000  }
0x17: {  	s15 =	sand.u32 $0x1FFFFC00, s15;
	[sflag:s10] =	ssyncset.done $0x0  }
0x18: {  	s31 =	sadd.s32 s1, s15;
	[sflag:s10] =	ssyncadd.s32 $0xFFFFE000  }
0x19: {  	[tilespmem:s12], [sflag:$0x1] =	stream.linear.gather [hbm4b:s31+s17], $0x2000, $0x38;
	[tilespmem:$0x4080] =	vst v63  }
0x1a: {  	_ =	swait.ge [sflag:s10], $0x2000  }
0x1b: {  	[sflag:s10] =	ssyncset.done $0x0  }
0x1c: {  	s16 =	simm.s32 $0x0;
	[sflag:s10] =	ssyncadd.s32 $0xFFFFE000  }
0x1d: {  	v5 =	vld [tilespmem:s16+$0x2080]  }
0x1e: {  	v6 =	vld [tilespmem:s16+$0x2090]  }
0x1f: {  	v1 =	vld [tilespmem:s16+$0x20A0]  }
0x20: {  	v0 =	vld [tilespmem:s16+$0x20B0]  }
0x21: {  	v2 =	vld [tilespmem:s16+$0x80]  }
0x22: {  	v4 =	vld [tilespmem:s16+$0x90]  }
0x23: {  	s17 =	simm.s32 $0x100;
	v3 =	vld [tilespmem:s16+$0xA0]  }
.LBB2_3:
0x24: {  	s18 =	sshra.s32 s17, $0x2;
	p0 =	sne.s32 s17, $0x7F00;
	v7 =	vld [tilespmem:s16+$0xB0];
	v8 =	vmov v1  }
0x25: {  	v9 =	vld [tilespmem:s18+$0x2080];
	v10 =	vmov v0  }
0x26: {  	v11 =	vld [tilespmem:s18+$0x2090];
	v2 =	vmul.f32 v5, v2  }
.Ltmp0:
0x27: {  	v1 =	vld [tilespmem:s18+$0x20A0];
	v4 =	vmul.f32 v6, v4;
	(pc) =	sbr.rel @p0 .LBB2_3-.Ltmp0, $4  }
0x28: {  	v0 =	vld [tilespmem:s18+$0x20B0];
	[tilespmem:s16+$0x80] =	vst v2;
	v3 =	vmul.f32 v8, v3  }
0x29: {  	v2 =	vld [tilespmem:s18+$0x80];
	[tilespmem:s16+$0x90] =	vst v4;
	v7 =	vmul.f32 v10, v7  }
0x2a: {  	v4 =	vld [tilespmem:s18+$0x90];
	[tilespmem:s16+$0xA0] =	vst v3;
	v5 =	vmov v9  }
0x2b: {  	s17 =	sadd.s32 $0x100, s17;
	v3 =	vld [tilespmem:s18+$0xA0];
	[tilespmem:s16+$0xB0] =	vst v7;
	v6 =	vmov v11;
	s16 =	smov.u32 s18  }
0x2c: {  	v7 =	vld [tilespmem:s16+$0xB0];
	_ =	sdelay $0x1  }
0x2d: {  	v2 =	vmul.f32 v5, v2  }
0x2e: {  	v4 =	vmul.f32 v6, v4  }
0x2f: {  	[tilespmem:s16+$0x80] =	vst v2;
	v1 =	vmul.f32 v1, v3  }
0x30: {  	s14 =	sadd.s32 $0x1, s14;
	[tilespmem:s16+$0x90] =	vst v4;
	v0 =	vmul.f32 v0, v7  }
0x31: {  	p0 =	sne.s32 s14, s8;
	[tilespmem:s16+$0xA0] =	vst v1  }
.Ltmp1:
0x32: {  	s15 =	sadd.s32 s6, s15;
	[tilespmem:s16+$0xB0] =	vst v0;
	(pc) =	sbr.rel @p0 .LBB2_2-.Ltmp1, $4  }
0x33: {  	[hbm4b:s15+s4] =	stream.linear.scatter [tilespmem:s11], [sflag:$0x1], $0x2000, $0x38;
	[tilespmem:$0x4080] =	vst v63  }
0x34: {  	_ =	swait.ge [sflag:s10], $0x2000  }
0x35: {  	[sflag:s10] =	ssyncset.done $0x0  }
0x36: {  	[sflag:s10] =	ssyncadd.s32 $0xFFFFE000  }
0x37: {  	s13 =	sadd.s32 $0x1, s13  }
0x38: {  	p0 =	sne.s32 s13, s9  }
.Ltmp2:
0x39: {  	_ = 	snop;
	(pc) =	sbr.rel @p0 .LBB2_1-.Ltmp2, $1  }
0x3a: {  	_ =	sdelay $0x3  }
0x3b: {  	_ =	sfence.sel $0x180000  }
0x3c: {  	[bflag:$0x0] =	sbarrier.arrive $0xFFFF  }
0x3d: {  	p0 =	sne.s32 s3, $0x0;
	_ =	strace $0x90000047  }
0x3e: {  	s0 =	sadd.s32 @!p0 $0x100000, s0;
	[bflag:$0x2] =	sbarrier.arrive $0xFFFF  }
0x3f: {  	[sflag:s0] =	ssyncadd.tile.s32 @!p0 $0x1;
	_ =	shalt  }
.Lfunc_end2:
_tile_overlayer_lowered:
.L_overlay_start_2:
0x40: {  	(tag) =	ssettag $0x2  }
0x41: {  	s0 =	rddreg [dreg:$0x0];
	s2 =	stileid.u32  }
0x42: {  	s1 =	rddreg [dreg:$0x1];
	p0 =	sne.s32 s2, $0x0  }
0x43: {  	s3 =	rddreg [dreg:$0x2];
	[bflag:$0x3] =	sbarrier.arrive $0xFFFF;
	s2 =	simm.s32 @!p0 $0x1C01  }
0x44: {  	[timem:s3], [sflag:s2] =	dma.local @!p0 [hbm:s0], s1  }
0x45: {  	s0 =	simm.s32 @!p0 $0x1  }
0x46: {  	_ =	swait.ge @!p0 [sflag:s0], s1  }
0x47: {  	s1 =	ssub.s32 @!p0 $0x0, s1;
	[sflag:s0] =	ssyncset.done @!p0 $0x0  }
0x48: {  	[sflag:s0] =	ssyncadd.s32 @!p0 s1  }
0x49: {  	[bflag:$0x3] =	sbarrier.arrive $0xFFFF  }
0x4a: {  	_ =	shalt  }

// kernel: scatter_offload_async_start
scs
__scs_entry_jumppad:
0x0: {  	(pc) =	sbr.rel $0x88, $3  }
0x1: {  	(tag) =	ssettag $0x0;
	lr =	simm.s32 $0x1  }
0x2: {  	[smem:$0x3F88] =	sst lr;
	_ =	strace $0xD0000000  }
0x3: {  	_ = 	snop  }
0x4: {  	_ = 	snop  }
0x5: {  	_ = 	snop  }
0x6: {  	_ = 	snop  }
0x7: {  	_ = 	snop  }
__scs_overlays_trampoline_lowered:
0x8: {  	[smem:$0x3F97] =	sst s0  }
0x9: {  	[smem:$0x3F98] =	sst s1  }
0xa: {  	[smem:$0x3F99] =	sst s2  }
0xb: {  	[smem:$0x3F9A] =	sst s3  }
0xc: {  	[smem:$0x3F9B] =	sst s4  }
0xd: {  	[smem:$0x3F9C] =	sst s5  }
0xe: {  	[smem:$0x3F9D] =	sst s6  }
0xf: {  	[smem:$0x3F9E] =	sst s7  }
0x10: {  	[smem:$0x3F9F] =	sst s8  }
0x11: {  	[smem:$0x3FA0] =	sst s9;
	s0 =	simm.s32 @!p0 $0x0  }
0x12: {  	s1 =	sld [smem:$0x3F86];
	s0 =	simm.s32 @p0 $0x1  }
0x13: {  	[smem:$0x3FA1] =	sst s0;
	s0 =	simm.s32 @!p1 $0x0  }
0x14: {  	s2 =	sld [smem:$0x3F85];
	s0 =	simm.s32 @p1 $0x1  }
0x15: {  	[smem:$0x3FA2] =	sst s0;
	s0 =	simm.s32 @!p2 $0x0  }
0x16: {  	s3 =	sld [smem:$0x3FDB];
	s0 =	simm.s32 @p2 $0x1  }
0x17: {  	s4 =	simm.s32 $0x1BF5;
	[smem:$0x3FA4] =	sst s0  }
0x18: {  	s0 =	sld [smem:$0x3F87];
	_ =	swait.ge [sflag:s4], $0x0  }
0x19: {  	s7 =	sld [smem:$0x3F88]  }
0x1a: {  	s8 =	sadd.s32 $0xFFFFE003, lr  }
0x1b: {  	s9 =	sadd.s32 $0xFFFFFEF7, lr;
	s5 =	simm.s32 $0xFFFFFFFF;
	p2 =	slt.u32 s8, $0xFFFFF086  }
0x1c: {  	p1 =	slt.u32 s9, $0xF7A;
	s5 =	simm.s32 @!p2 $0x0  }
0x1d: {  	s5 =	simm.s32 @p1 $0x1;
	p0 =	seq.s32 s7, s2  }
0x1e: {  	s7 =	smul.u32 @!p0 $0xF7A, s2;
	p2 =	seq.s32 @!p0 s5, $0x0  }
0x1f: {  	s9 =	smul.u32 $0xF7A, s1;
	s8 =	simm.s32 @!p0 $0x1BF5;
	p2 =	por !p2, p0  }
0x20: {  	[sflag:s8] =	ssyncset.s32 @!p0 $0xFFFFF086;
	s6 =	sadd.s32 @!p0 s3, s7;
	s7 =	simm.s32 @!p0 $0x108  }
0x21: {  	s3 =	sadd.s32 s3, s9;
	s6 =	sadd.s32 @!p0 $0x88, s6;
	s7 =	simm.s32 @p2 $0x1082  }
0x22: {  	[simem:s7], [sflag:s8] =	dma.local @!p0 [hbm:s6], $0xF7A  }
0x23: {  	s9 =	sor.u32 $0xD0000000, s2;
	s6 =	simm.s32 $0x108;
	_ =	swait.ge @!p0 [sflag:s8], $0x0  }
0x24: {  	s3 =	sadd.s32 $0x88, s3;
	s6 =	simm.s32 @!p1 $0x1082;
	[sflag:s4] =	ssyncset.s32 $0xFFFFF086  }
0x25: {  	[simem:s6], [sflag:s4] =	dma.local [hbm:s3], $0xF7A  }
0x26: {  	[smem:$0x3F88] =	sst s1;
	(tag) =	ssettag s2;
	_ =	strace s9  }
0x27: {  	s1 =	sld [smem:$0x3F98]  }
0x28: {  	s2 =	sld [smem:$0x3F99]  }
0x29: {  	s4 =	sld [smem:$0x3F9B]  }
0x2a: {  	p0 =	seq.s32 s5, $0x0;
	s5 =	sld [smem:$0x3F9C]  }
0x2b: {  	s6 =	sld [smem:$0x3F9D]  }
0x2c: {  	s7 =	sld [smem:$0x3F9E]  }
0x2d: {  	s3 =	simm.s32 $0x108;
	s8 =	sld [smem:$0x3F9F]  }
0x2e: {  	s3 =	simm.s32 @!p0 $0x1082;
	s9 =	sld [smem:$0x3FA0]  }
0x2f: {  	lr =	sadd.s32 s0, s3;
	s0 =	sld [smem:$0x3F97]  }
0x30: {  	s3 =	sld [smem:$0x3F9A]  }
0x31: {  	[smem:$0x3FA3] =	sst s10  }
0x32: {  	s10 =	sld [smem:$0x3FA1];
	_ =	sdelay $0x3  }
0x33: {  	p0 =	seq.s32 s10, $0x1;
	s10 =	sld [smem:$0x3FA3];
	_ =	sdelay $0x3  }
0x34: {  	[smem:$0x3FA3] =	sst s10  }
0x35: {  	s10 =	sld [smem:$0x3FA2];
	_ =	sdelay $0x3  }
0x36: {  	p1 =	seq.s32 s10, $0x1;
	s10 =	sld [smem:$0x3FA3];
	_ =	sdelay $0x3  }
0x37: {  	[smem:$0x3FA3] =	sst s10  }
0x38: {  	s10 =	sld [smem:$0x3FA4]  }
0x39: {  	_ = 	snop;
	(pc) =	sbr.ind lr, $3  }
0x3a: {  	_ = 	snop  }
0x3b: {  	_ = 	snop  }
0x3c: {  	p2 =	seq.s32 s10, $0x1;
	s10 =	sld [smem:$0x3FA3]  }
0x3d: {  	_ =	shalt  }
0x3e: {  	_ =	shalt  }
0x3f: {  	_ =	shalt  }
0x40: {  	_ =	shalt  }
0x41: {  	_ =	shalt  }
0x42: {  	_ =	shalt  }
0x43: {  	_ =	shalt  }
0x44: {  	_ =	shalt  }
0x45: {  	_ =	shalt  }
0x46: {  	_ =	shalt  }
0x47: {  	_ =	shalt  }
0x48: {  	_ =	shalt  }
0x49: {  	_ =	shalt  }
0x4a: {  	_ =	shalt  }
0x4b: {  	_ =	shalt  }
0x4c: {  	_ =	shalt  }
0x4d: {  	_ =	shalt  }
0x4e: {  	_ =	shalt  }
0x4f: {  	_ =	shalt  }
0x50: {  	_ =	shalt  }
0x51: {  	_ =	shalt  }
0x52: {  	_ =	shalt  }
0x53: {  	_ =	shalt  }
0x54: {  	_ =	shalt  }
0x55: {  	_ =	shalt  }
0x56: {  	_ =	shalt  }
0x57: {  	_ =	shalt  }
0x58: {  	_ =	shalt  }
0x59: {  	_ =	shalt  }
0x5a: {  	_ =	shalt  }
0x5b: {  	_ =	shalt  }
0x5c: {  	_ =	shalt  }
0x5d: {  	_ =	shalt  }
0x5e: {  	_ =	shalt  }
0x5f: {  	_ =	shalt  }
0x60: {  	_ =	shalt  }
0x61: {  	_ =	shalt  }
0x62: {  	_ =	shalt  }
0x63: {  	_ =	shalt  }
0x64: {  	_ =	shalt  }
0x65: {  	_ =	shalt  }
0x66: {  	_ =	shalt  }
0x67: {  	_ =	shalt  }
0x68: {  	_ =	shalt  }
0x69: {  	_ =	shalt  }
0x6a: {  	_ =	shalt  }
0x6b: {  	_ =	shalt  }
0x6c: {  	_ =	shalt  }
0x6d: {  	_ =	shalt  }
0x6e: {  	_ =	shalt  }
0x6f: {  	_ =	shalt  }
0x70: {  	_ =	shalt  }
0x71: {  	_ =	shalt  }
0x72: {  	_ =	shalt  }
0x73: {  	_ =	shalt  }
0x74: {  	_ =	shalt  }
0x75: {  	_ =	shalt  }
0x76: {  	_ =	shalt  }
0x77: {  	_ =	shalt  }
0x78: {  	_ =	shalt  }
0x79: {  	_ =	shalt  }
0x7a: {  	_ =	shalt  }
0x7b: {  	_ =	shalt  }
0x7c: {  	_ =	shalt  }
0x7d: {  	_ =	shalt  }
0x7e: {  	_ =	shalt  }
0x7f: {  	_ =	shalt  }
0x80: {  	_ =	shalt  }
0x81: {  	_ =	shalt  }
0x82: {  	_ =	shalt  }
0x83: {  	_ =	shalt  }
0x84: {  	_ =	shalt  }
0x85: {  	_ =	shalt  }
0x86: {  	_ =	shalt  }
0x87: {  	_ =	shalt  }
.Lfunc_end0:
.L_simem_size_0:
called_computation_lowered:
.L_overlay_start_0:
0x88: {  	s2 =	sld [smem:$0x3FD9]  }
0x89: {  	s3 =	sld [smem:$0x3FFE];
	_ =	sdelay $0x1  }
0x8a: {  	s1 =	srdreg.scid  }
0x8b: {  	s0 =	sand.u32 $0x1, s1  }
0x8c: {  	s15 =	sshll.u32 s0, $0xA;
	s2 =	sadd.s32 s3, s2  }
0x8d: {  	s2 =	sadd.s32 s2, s15  }
0x8e: {  	[smem:$0x3FAF] =	sst s2  }
0x8f: {  	_ = 	snop  }
0x90: {  	(tm) =	ssettm $0x1  }
0x91: {  	s16 =	sld [smem:$0x3FFB];
	_ =	sdelay $0x3  }
0x92: {  	_ =	strace s16  }
0x93: {  	s2 =	sld [smem:$0x3FFC];
	_ =	sdelay $0x3  }
0x94: {  	_ =	strace s2  }
0x95: {  	s2 =	sld [smem:$0x3FFD];
	_ =	sdelay $0x3  }
0x96: {  	_ =	strace s2  }
0x97: {  	_ =	strace $0x8FFFFFFF  }
0x98: {  	s17 =	sld [smem:$0x3FDB];
	_ =	sdelay $0x1  }
0x99: {  	s18 =	simm.s32 $_scs_section_size  }
0x9a: {  	s4 =	simm.s32 $_size__tile_overlayer_lowered;
	s5 =	simm.s32 $_tile_overlayer_lowered  }
0x9b: {  	s21 =	simm.s32 $0x1BFF;
	s20 =	sshll.u32 s5, $0x1;
	s2 =	sadd.s32 s18, s17  }
0x9c: {  	s6 =	simm.s32 $0x0;
	s19 =	sshll.u32 s4, $0x1;
	s4 =	sadd.s32 s20, s2  }
0x9d: {  	[timem:s6], [sflag:s21] =	dma.local [hbm:s4], s19  }
0x9e: {  	_ =	swait.ge [sflag:s21], s19  }
0x9f: {  	s3 =	ssub.s32 $0x0, s19;
	[sflag:s21] =	ssyncset.done $0x0  }
0xa0: {  	[sflag:s21] =	ssyncadd.s32 s3;
	_ =	sdelay $0x1  }
0xa1: {  	s22 =	simm.s32 $0x1B8B  }
0xa2: {  	_ =	swait.ge [sflag:s22], $0x1  }
0xa3: {  	[sflag:s22] =	ssyncset.done $0x0  }
0xa4: {  	s23 =	sld [smem:$0x3FFE];
	[sflag:s22] =	ssyncadd.s32 $0xFFFFFFFF  }
0xa5: {  	s25 =	simm.s32 $0x1B8E;
	s24 =	sld [smem:$0x0]  }
0xa6: {  	s26 =	simm.s32 $execute0_lowered;
	[smem:$0x3FD2] =	sst s25  }
0xa7: {  	s5 =	sshll.u32 s26, $0x1;
	_ =	strace $0x80000049;
	[dreg:$0x1] =	wrdreg $0xFFFFFFFF  }
0xa8: {  	s28 =	simm.s32 $_size_execute0_lowered;
	s2 =	sadd.s32 s2, s5;
	[dreg:$0x0] =	wrdreg $0x0  }
0xa9: {  	s5 =	sshll.u32 s28, $0x1;
	[dreg:$0x2] =	wrdreg s2  }
0xaa: {  	[dreg:$0x3] =	wrdreg s5  }
0xab: {  	[dreg:$0x4] =	wrdreg $0xC0  }
0xac: {  	_ =	task [dreg:s6], $0x5FFFF  }
0xad: {  	[dreg:$0x1] =	wrdreg $0xFFFFFFFF  }
0xae: {  	[dreg:$0x0] =	wrdreg $0x60  }
0xaf: {  	[dreg:$0x2] =	wrdreg s23  }
0xb0: {  	[dreg:$0x3] =	wrdreg s1  }
0xb1: {  	[dreg:$0x4] =	wrdreg s24  }
0xb2: {  	[dreg:$0x5] =	wrdreg $0x9  }
0xb3: {  	_ =	task.clear_ibuf [dreg:s6], $0x6FFFF;
	_ =	strace $0x90000049  }
0xb4: {  	s29 =	simm.s32 $0x9;
	_ =	strace $0x8000004B  }
0xb5: {  	_ =	swait.ge [sflag:s29], $0x1  }
0xb6: {  	[sflag:s29] =	ssyncadd.s32 $0xFFFFFFFF  }
0xb7: {  	_ =	strace $0x9000004B  }
0xb8: {  	_ =	sfence  }
0xb9: {  	s30 =	sld [smem:$0x0];
	_ =	sdelay $0x2  }
0xba: {  	s31 =	sshll.u32 s1, $0xD;
	s1 =	sshrl.u32 s1, $0x2  }
0xbb: {  	s3 =	sand.u32 $0x4000, s31;
	s1 =	sadd.s32 s1, s30  }
0xbc: {  	s0 =	sor.u32 s3, s0;
	s1 =	sshll.u32 s1, $0x11  }
0xbd: {  	s0 =	sor.u32 s1, s0  }
0xbe: {  	s0 =	sadd.s32 $0x8F2B, s0  }
0xbf: {  	[sflag:s0] =	ssyncadd.remote.s32 $0x1  }
0xc0: {  	_ =	sfence.sel $0xFFFF  }
0xc1: {  	[dreg:$0x0] =	wrdreg $0xFFFFFFFF;
	(pc) =	sbr.abs _section_cstart, $3  }
0xc2: {  	[dreg:$0x1] =	wrdreg $0xFFFFFFFF  }
0xc3: {  	_ =	task.clear_ibuf [dreg:s6], $0x2FFFF;
	_ =	strace $0x9FFFFFFF  }
0xc4: {  	(tm) =	ssettm $0x7FFFFFFF  }
0xc5: {  	_ =	shalt  }
tec
execute0_lowered:
.L_overlay_start_1:
0x0: {  	(tag) =	ssettag $0x1  }
0x1: {  	s2 =	rddreg [dreg:$0x0]  }
0x2: {  	s4 =	rddreg [dreg:$0x1];
	_ =	strace $0x8000004A;
	s0 =	simm.s32 $0x1  }
0x3: {  	s3 =	simm.s32 $0x88;
	v0 =	vimm.s32 $0x0;
	[sflag:s0] =	ssyncpa.u1 $0x0  }
0x4: {  	s1 =	sadd.s32 $0x755200, s2;
	[tilespmem:s3+$0x30] =	vst v0  }
0x5: {  	s0 =	sadd.s32 $0x2200, s2;
	s6 =	sadd.s32 $0xD6FA00, s2;
	[tilespmem:s3+$0x20] =	vst v0  }
0x6: {  	s2 =	sadd.s32 $0x15C00, s2;
	s7 =	sand.u32 $0x1, s4;
	s4 =	simm.s32 $0x40;
	[tilespmem:s3+$0x10] =	vst v0  }
.LBB2_1:
0x7: {  	s4 =	sadd.s32 $0x40, s4  }
0x8: {  	[tilespmem:s3+$0x0] =	vst v0;
	s3 =	sadd.s32 $0x40, s3;
	p0 =	slt.u32 s4, $0x5040  }
.Ltmp0:
0x9: {  	(pc) =	sbr.rel @p0 .LBB2_1-.Ltmp0, $4  }
0xa: {  	_ = 	snop  }
0xb: {  	[tilespmem:s3+$0x30] =	vst v0  }
0xc: {  	[tilespmem:s3+$0x20] =	vst v0  }
0xd: {  	[tilespmem:s3+$0x10] =	vst v0  }
0xe: {  	s8 =	stileid.u32  }
0xf: {  	s4 =	smul.u32 $0x3E, s8  }
0x10: {  	s5 =	smin.u32 s8, $0x8  }
0x11: {  	s4 =	sadd.s32 s5, s4  }
0x12: {  	p0 =	slt.u32 s8, $0x8;
	s12 =	smul.u32 $0x140, s4;
	s4 =	simm.s32 $0x4EC0  }
0x13: {  	s4 =	simm.s32 @!p0 $0x4D80  }
0x14: {  	s25 =	simm.s32 $0x2;
	s4 =	sadd.s32 s4, s12  }
0x15: {  	s28 =	simm.s32 $0x9;
	s9 =	simm.s32 $0xA;
	s14 =	smin.u32 s4, $0x4E200  }
0x16: {  	s30 =	simm.s32 $0xB;
	[dreg:$0x4] =	wrdreg s7;
	s4 =	ssub.s32 s14, s12  }
0x17: {  	s31 =	smul.u32 $0x9C40, s7;
	s13 =	simm.s32 $0x1;
	p0 =	sgt.s32 s4, $0x0  }
0x18: {  	s19 =	simm.s32 $0x0;
	s20 =	simm.s32 $0xA808;
	s4 =	simm.s32 @!p0 $0x0  }
0x19: {  	s21 =	simm.s32 $0xFFFFFFFF;
	p1 =	por $0x0, $0x0;
	s26 =	smulhi.u32 $0x66666667, s4  }
0x1a: {  	[tilespmem:s3+$0x0] =	vst v0;
	s23 =	simm.s32 $0x0;
	[sflag:s25] =	ssyncpa.u1 $0x0;
	s18 =	sshll.u32 s8, $0x7  }
0x1b: {  	s0 =	sadd.s32 s31, s0;
	[dreg:$0xa] =	wrdreg s18;
	s3 =	sshrl.u32 s26, $0x7  }
0x1c: {  	v0 =	vimm.s32 $0xFFFFFFFF;
	s17 =	sadd.s32 s31, s2;
	[dreg:$0x9] =	wrdreg s0;
	s29 =	smul.u32 $0x140, s3  }
0x1d: {  	s25 =	simm.s32 $0x0;
	[tilespmem:$0xA108] =	vst v0;
	[sflag:s28] =	ssyncpa.u1 $0x0;
	[dreg:$0x8] =	wrdreg s17  }
.Ltmp1:
0x1e: {  	p0 =	sne.s32 s4, s29;
	s4 =	simm.s32 $0x1;
	(pc) =	sbr.rel .LBB2_3-.Ltmp1, $4  }
0x1f: {  	[sflag:s9] =	ssyncpa.u1 $0x0;
	[dreg:$0x5] =	wrdreg s12;
	s4 =	simm.s32 @!p0 $0x0  }
0x20: {  	[sflag:s30] =	ssyncpa.u1 $0x0;
	[dreg:$0x6] =	wrdreg s14;
	s15 =	sadd.s32 s4, s3  }
0x21: {  	s24 =	smov.u32 s12;
	s22 =	sadd.s32 $0x1, s15;
	[dreg:$0x7] =	wrdreg s15  }
0x22: {  	v0 =	vlaneseq.u32;
	s26 =	simm.s32 $0x0;
	p0 =	por $0x1, $0x1;
	[dreg:$0xb] =	wrdreg s22  }
.LBB2_22:
0x23: {  	s0 =	sshrl.u32 s3, $0x2  }
.LBB2_24:
0x24: {  	s3 =	simm.s32 $0xC  }
0x25: {  	_ =	swait.ge [sflag:s3], s0  }
0x26: {  	s31 =	ssub.s32 $0x0, s0;
	v1 =	vmov s4;
	vm0 =	veq.s32 v0, $0x0;
	[sflag:s3] =	ssyncset.done $0x0  }
0x27: {  	vm15 =	veq.s32 v0, $0x2;
	v1 =	vsel vm0, s2, v1;
	[sflag:s3] =	ssyncadd.s32 s31  }
0x28: {  	v1 =	vsel vm15, s26, v1;
	[sflag:s3] =	ssyncpa.u1 $0x1  }
0x29: {  	[tilespmem:$0xA108] =	vst v1  }
.LBB2_25:
0x2a: {  	s0 =	sadd.s32 $0x140, s24  }
0x2b: {  	s2 =	smov.u32 s12;
	p2 =	slt.s32 s0, s14  }
0x2c: {  	s2 =	smov.u32 @p2 s0;
	p2 =	sne.s32 s25, s22  }
.Ltmp2:
0x2d: {  	_ = 	snop;
	(pc) =	sbr.rel @!p2 .LBB2_26-.Ltmp2, $4  }
0x2e: {  	_ = 	snop  }
0x2f: {  	s26 =	smov.u32 s23;
	s31 =	sadd.s32 $0x1, s25;
	p0 =	por !p0, !p0  }
0x30: {  	s23 =	smov.u32 s24;
	s20 =	sadd.s32 $0x140, s20;
	s21 =	sadd.s32 $0x1, s21  }
0x31: {  	p1 =	por !p1, !p1;
	s25 =	smov.u32 s31;
	s24 =	smov.u32 s2  }
.LBB2_3:
0x32: {  	p2 =	sge.u32 s25, s15  }
0x33: {  	s0 =	smulhi.u32 @!p2 $0xAAAAAAAB, s25  }
0x34: {  	s2 =	smov.u32 s24;
	p3 =	sgt.s32 @!p2 s24, $0x4E0C0  }
0x35: {  	s3 =	sshra.s32 @!p2 s24, $0x1F;
	p3 =	por !p3, p2;
	s0 =	sshrl.u32 @!p2 s0, $0x1  }
0x36: {  	s3 =	sand.u32 @!p2 s3, s24;
	s2 =	simm.s32 @p3 $0x4E0C0;
	s0 =	smul.u32 @!p2 $0x3, s0  }
0x37: {  	s2 =	ssub.s32 @!p2 s2, s3  }
0x38: {  	s2 =	sadd.s32 @!p2 $0xFFFB1F40, s2;
	s0 =	ssub.s32 @!p2 s25, s0  }
0x39: {  	s3 =	sshll.u32 @!p2 s2, $0x2;
	p3 =	sgt.s32 @!p2 s2, $0x13F;
	s0 =	smul.u32 @!p2 $0x500, s0  }
0x3a: {  	s4 =	sand.u32 @!p2 $0x7, s24;
	s2 =	ssub.s32 @!p2 $0x500, s3;
	p3 =	por !p3, p2  }
0x3b: {  	s3 =	sshrl.u32 @!p2 s24, $0x3;
	s2 =	sshrl.u32 @!p2 s2, $0x2;
	s0 =	sshrl.u32 @!p2 s0, $0x2  }
0x3c: {  	s3 =	sadd.s32 @!p2 s3, s17;
	s2 =	simm.s32 @!p3 $0x0;
	s0 =	sadd.s32 @!p2 $0xA948, s0  }
0x3d: {  	[tilespmem:s0], [sflag:$0xA] =	stream.linear.gather @!p2 [hbm4b:s3+s4], s2, $0x38;
	[tilespmem:$0x1EF88] =	vst v63  }
0x3e: {  	s0 =	sadd.s32 $0xFFFFFFFF, s25  }
0x3f: {  	p2 =	sge.u32 s0, s15  }
.Ltmp3:
0x40: {  	_ = 	snop;
	(pc) =	sbr.rel @p2 .LBB2_7-.Ltmp3, $1  }
0x41: {  	_ =	sdelay $0x3  }
0x42: {  	p2 =	sgt.s32 s23, $0x4E0C0;
	s2 =	smov.u32 s23;
	s3 =	sshra.s32 s23, $0x1F  }
0x43: {  	s2 =	simm.s32 @!p2 $0x4E0C0;
	s3 =	sand.u32 s3, s23  }
0x44: {  	s17 =	smulhi.u32 $0xAAAAAAAB, s21;
	s2 =	ssub.s32 s2, s3  }
0x45: {  	s0 =	sand.u32 $0x1, s0;
	s2 =	sadd.s32 $0xFFFB1F40, s2  }
0x46: {  	s5 =	simm.s32 $0xA;
	s3 =	sshrl.u32 s17, $0x1;
	s4 =	sshll.u32 s2, $0x2  }
0x47: {  	s7 =	sshrl.u32 s23, $0x3;
	s3 =	smul.u32 $0xFFFFF100, s3;
	s4 =	ssub.s32 $0x500, s4  }
0x48: {  	s18 =	smul.u32 $0x500, s0;
	p2 =	sgt.s32 s2, $0x13F;
	s2 =	sshrl.u32 s4, $0x2  }
0x49: {  	s9 =	sand.u32 $0x7, s23;
	s3 =	sshra.s32 s3, $0x2;
	s2 =	simm.s32 @p2 $0x0  }
0x4a: {  	s0 =	sadd.s32 s3, s20;
	s4 =	sshrl.u32 s18, $0x2;
	_ =	swait.ge [sflag:s5], s2  }
0x4b: {  	s22 =	ssub.s32 $0x0, s2;
	[sflag:s5] =	ssyncset.done $0x0;
	s8 =	rddreg [dreg:$0x9]  }
0x4c: {  	s4 =	sadd.s32 $0xAD08, s4;
	[sflag:s5] =	ssyncadd.s32 s22;
	s3 =	sadd.s32 s7, s8  }
0x4d: {  	[tilespmem:s4], [sflag:$0xB] =	stream.linear.gather [hbm4b:s3+s9], s2, $0x38;
	[tilespmem:$0x1EF88] =	vst v63  }
0x4e: {  	v1 =	vld.msk [tilespmem:s0+$0x0], $0xffff;
	_ =	sdelay $0x4  }
0x4f: {  	v1 =	vshll.u32 v1, $0x4  }
0x50: {  	(v2sf) =	vpush v1, $0x0  }
0x51: {  	(v2sf) =	vpush v1, $0x1  }
0x52: {  	(v2sf) =	vpush v1, $0x2;
	_ =	sdelay $0x3  }
0x53: {  	(v2sf) =	vpush v1, $0x3;
	_ =	sdelay $0x1  }
0x54: {  	(v2sf) =	vpush v1, $0x4  }
0x55: {  	s2 =	simm.s32 $0x1;
	(v2sf) =	vpush v1, $0x5  }
0x56: {  	s2 =	simm.s32 @!p0 $0x0  }
0x57: {  	s2 =	smul.u32 $0x28000, s2;
	(v2sf) =	vpush v1, $0x6;
	_ =	sdelay $0x1  }
0x58: {  	s2 =	sshrl.u32 s2, $0x2  }
0x59: {  	s28 =	sadd.s32 $0xB708, s2  }
0x5a: {  	s12 =	sadd.s32 $0xFFFFF880, s28;
	s17 =	sadd.s32 $0xFFFFF900, s28;
	s10 =	spop (v2sf);
	(v2sf) =	vpush v1, $0x7  }
0x5b: {  	s18 =	sadd.s32 $0xFFFFF980, s28;
	s11 =	sand.u32 $0x1FFFFFF0, s10;
	s14 =	spop (v2sf)  }
0x5c: {  	(v2sf) =	vpush v1, $0x8;
	s2 =	sadd.s32 s6, s11;
	s15 =	sand.u32 $0x1FFFFFF0, s14;
	s16 =	spop (v2sf)  }
0x5d: {  	[tilespmem:s12], [sflag:$0x9] =	stream.linear.gather [hbm4b:s2+s19], $0x40, $0x38;
	[tilespmem:$0x1EF88] =	vst v63  }
0x5e: {  	s5 =	sadd.s32 $0xFFFFFA00, s28;
	s2 =	sadd.s32 s6, s15;
	s3 =	sand.u32 $0x1FFFFFF0, s16  }
0x5f: {  	(v2sf) =	vpush v1, $0x9;
	[tilespmem:s17], [sflag:$0x9] =	stream.linear.gather [hbm4b:s2+s19], $0x40, $0x38;
	[tilespmem:$0x1EF88] =	vst v63  }
0x60: {  	s7 =	sadd.s32 $0xFFFFFA80, s28;
	s22 =	spop (v2sf);
	s3 =	sadd.s32 s6, s3  }
0x61: {  	(v2sf) =	vpush v1, $0xA;
	[tilespmem:s18], [sflag:$0x9] =	stream.linear.gather [hbm4b:s3+s19], $0x40, $0x38;
	[tilespmem:$0x1EF88] =	vst v63  }
0x62: {  	s11 =	sadd.s32 $0xFFFFFB00, s28;
	s4 =	spop (v2sf);
	(v2sf) =	vpush v1, $0xB;
	s3 =	sand.u32 $0x1FFFFFF0, s22  }
0x63: {  	s8 =	spop (v2sf);
	s2 =	sadd.s32 s6, s3;
	s3 =	sand.u32 $0x1FFFFFF0, s4  }
0x64: {  	(v2sf) =	vpush v1, $0xC;
	[tilespmem:s5], [sflag:$0x9] =	stream.linear.gather [hbm4b:s2+s19], $0x40, $0x38;
	[tilespmem:$0x1EF88] =	vst v63  }
0x65: {  	s9 =	sand.u32 $0x1FFFFFF0, s8;
	s10 =	spop (v2sf);
	s3 =	sadd.s32 s6, s3  }
0x66: {  	(v2sf) =	vpush v1, $0xD;
	[tilespmem:s7], [sflag:$0x9] =	stream.linear.gather [hbm4b:s3+s19], $0x40, $0x38;
	[tilespmem:$0x1EF88] =	vst v63  }
0x67: {  	s12 =	sadd.s32 $0xFFFFFB80, s28;
	s2 =	sadd.s32 s6, s9;
	s3 =	sand.u32 $0x1FFFFFF0, s10  }
0x68: {  	[tilespmem:s11], [sflag:$0x9] =	stream.linear.gather [hbm4b:s2+s19], $0x40, $0x38;
	[tilespmem:$0x1EF88] =	vst v63  }
0x69: {  	s17 =	sadd.s32 $0xFFFFFC00, s28;
	s3 =	sadd.s32 s6, s3;
	s14 =	spop (v2sf)  }
0x6a: {  	[tilespmem:s12], [sflag:$0x9] =	stream.linear.gather [hbm4b:s3+s19], $0x40, $0x38;
	(v2sf) =	vpush v1, $0xE;
	[tilespmem:$0x1EF88] =	vst v63  }
0x6b: {  	s18 =	sadd.s32 $0xFFFFFC80, s28;
	s15 =	sand.u32 $0x1FFFFFF0, s14;
	s16 =	spop (v2sf)  }
0x6c: {  	s5 =	sadd.s32 $0xFFFFFD00, s28;
	(v2sf) =	vpush v1, $0xF;
	s2 =	sadd.s32 s6, s15;
	s3 =	sand.u32 $0x1FFFFFF0, s16  }
0x6d: {  	[tilespmem:s17], [sflag:$0x9] =	stream.linear.gather [hbm4b:s2+s19], $0x40, $0x38;
	[tilespmem:$0x1EF88] =	vst v63  }
0x6e: {  	s7 =	sadd.s32 $0xFFFFFD80, s28;
	s22 =	spop (v2sf);
	s3 =	sadd.s32 s6, s3  }
0x6f: {  	[tilespmem:s18], [sflag:$0x9] =	stream.linear.gather [hbm4b:s3+s19], $0x40, $0x38;
	[tilespmem:$0x1EF88] =	vst v63  }
0x70: {  	s11 =	sadd.s32 $0xFFFFFE00, s28;
	s4 =	spop (v2sf);
	s3 =	sand.u32 $0x1FFFFFF0, s22  }
0x71: {  	s8 =	spop (v2sf);
	s2 =	sadd.s32 s6, s3;
	s3 =	sand.u32 $0x1FFFFFF0, s4  }
0x72: {  	[tilespmem:s5], [sflag:$0x9] =	stream.linear.gather [hbm4b:s2+s19], $0x40, $0x38;
	[tilespmem:$0x1EF88] =	vst v63  }
0x73: {  	s9 =	sand.u32 $0x1FFFFFF0, s8;
	s10 =	spop (v2sf);
	s3 =	sadd.s32 s6, s3  }
0x74: {  	[tilespmem:s7], [sflag:$0x9] =	stream.linear.gather [hbm4b:s3+s19], $0x40, $0x38;
	[tilespmem:$0x1EF88] =	vst v63  }
0x75: {  	s14 =	spop (v2sf);
	s2 =	sadd.s32 s6, s9;
	s3 =	sand.u32 $0x1FFFFFF0, s10  }
0x76: {  	[tilespmem:s11], [sflag:$0x9] =	stream.linear.gather [hbm4b:s2+s19], $0x40, $0x38;
	[tilespmem:$0x1EF88] =	vst v63  }
0x77: {  	s12 =	sadd.s32 $0xFFFFFE80, s28;
	s15 =	sand.u32 $0x1FFFFFF0, s14;
	s3 =	sadd.s32 s6, s3  }
0x78: {  	[tilespmem:s12], [sflag:$0x9] =	stream.linear.gather [hbm4b:s3+s19], $0x40, $0x38;
	[tilespmem:$0x1EF88] =	vst v63  }
0x79: {  	s17 =	sadd.s32 $0xFFFFFF00, s28;
	s2 =	sadd.s32 s6, s15;
	s16 =	spop (v2sf)  }
0x7a: {  	[tilespmem:s17], [sflag:$0x9] =	stream.linear.gather [hbm4b:s2+s19], $0x40, $0x38;
	[tilespmem:$0x1EF88] =	vst v63  }
0x7b: {  	s29 =	simm.s32 $0x0;
	s3 =	sand.u32 $0x1FFFFFF0, s16;
	s18 =	spop (v2sf)  }
0x7c: {  	s22 =	sadd.s32 $0xFFFFFF80, s28;
	s3 =	sadd.s32 s6, s3;
	s2 =	sand.u32 $0x1FFFFFF0, s18  }
0x7d: {  	[tilespmem:s22], [sflag:$0x9] =	stream.linear.gather [hbm4b:s3+s19], $0x40, $0x38;
	[tilespmem:$0x1EF88] =	vst v63  }
0x7e: {  	s31 =	sadd.s32 $0x10, s0;
	s30 =	sadd.s32 $0x800, s28;
	s2 =	sadd.s32 s6, s2  }
.LBB2_5:
0x7f: {  	[tilespmem:s28], [sflag:$0x9] =	stream.linear.gather [hbm4b:s2+s19], $0x40, $0x38;
	[tilespmem:$0x1EF88] =	vst v63  }
0x80: {  	s29 =	sadd.s32 $0x10, s29;
	s28 =	smov.u32 s30  }
0x81: {  	p2 =	slt.u32 s29, $0x130;
	v1 =	vld.msk [tilespmem:s31+$0x0], $0xffff;
	_ =	sdelay $0x4  }
0x82: {  	v1 =	vshll.u32 v1, $0x4  }
0x83: {  	(v2sf) =	vpush v1, $0x0  }
0x84: {  	(v2sf) =	vpush v1, $0x1  }
0x85: {  	(v2sf) =	vpush v1, $0x2;
	_ =	sdelay $0x1  }
0x86: {  	(v2sf) =	vpush v1, $0x3;
	_ =	sdelay $0x1  }
0x87: {  	(v2sf) =	vpush v1, $0x4;
	_ =	sdelay $0x1  }
0x88: {  	(v2sf) =	vpush v1, $0x5;
	_ =	sdelay $0x1  }
0x89: {  	(v2sf) =	vpush v1, $0x6  }
0x8a: {  	s4 =	sadd.s32 $0xFFFFFE80, s30;
	s0 =	sadd.s32 $0xFFFFFF00, s30  }
0x8b: {  	s3 =	sadd.s32 $0xFFFFFD00, s30;
	s2 =	sadd.s32 $0xFFFFFD80, s30;
	s5 =	sadd.s32 $0xFFFFFE00, s30;
	(v2sf) =	vpush v1, $0x7  }
0x8c: {  	s10 =	sadd.s32 $0xFFFFFB80, s30;
	s9 =	sadd.s32 $0xFFFFFC00, s30;
	s16 =	sadd.s32 $0xFFFFFC80, s30  }
0x8d: {  	s11 =	sadd.s32 $0xFFFFFA00, s30;
	s12 =	sadd.s32 $0xFFFFFA80, s30;
	s15 =	sadd.s32 $0xFFFFFB00, s30;
	(v2sf) =	vpush v1, $0x8  }
0x8e: {  	s18 =	sadd.s32 $0xFFFFF900, s30;
	s7 =	sadd.s32 $0xFFFFF980, s30;
	s22 =	spop (v2sf)  }
0x8f: {  	s8 =	sadd.s32 $0xFFFFF880, s30;
	s22 =	sand.u32 $0x1FFFFFF0, s22;
	s14 =	spop (v2sf);
	(v2sf) =	vpush v1, $0x9  }
0x90: {  	s22 =	sadd.s32 s6, s22;
	s14 =	sand.u32 $0x1FFFFFF0, s14;
	s17 =	spop (v2sf)  }
0x91: {  	[tilespmem:s8], [sflag:$0x9] =	stream.linear.gather [hbm4b:s22+s19], $0x40, $0x38;
	(v2sf) =	vpush v1, $0xA;
	[tilespmem:$0x1EF88] =	vst v63  }
0x92: {  	s8 =	sadd.s32 s6, s14;
	s14 =	sand.u32 $0x1FFFFFF0, s17;
	s17 =	spop (v2sf)  }
0x93: {  	[tilespmem:s18], [sflag:$0x9] =	stream.linear.gather [hbm4b:s8+s19], $0x40, $0x38;
	(v2sf) =	vpush v1, $0xB;
	[tilespmem:$0x1EF88] =	vst v63  }
0x94: {  	s8 =	sadd.s32 s6, s14;
	s14 =	sand.u32 $0x1FFFFFF0, s17;
	s17 =	spop (v2sf)  }
0x95: {  	[tilespmem:s7], [sflag:$0x9] =	stream.linear.gather [hbm4b:s8+s19], $0x40, $0x38;
	(v2sf) =	vpush v1, $0xC;
	[tilespmem:$0x1EF88] =	vst v63  }
0x96: {  	s7 =	sadd.s32 s6, s14;
	s8 =	sand.u32 $0x1FFFFFF0, s17;
	s14 =	spop (v2sf)  }
0x97: {  	[tilespmem:s11], [sflag:$0x9] =	stream.linear.gather [hbm4b:s7+s19], $0x40, $0x38;
	(v2sf) =	vpush v1, $0xD;
	[tilespmem:$0x1EF88] =	vst v63  }
0x98: {  	s7 =	sadd.s32 s6, s8;
	s8 =	sand.u32 $0x1FFFFFF0, s14;
	s11 =	spop (v2sf)  }
0x99: {  	[tilespmem:s12], [sflag:$0x9] =	stream.linear.gather [hbm4b:s7+s19], $0x40, $0x38;
	(v2sf) =	vpush v1, $0xE;
	[tilespmem:$0x1EF88] =	vst v63  }
0x9a: {  	s7 =	sadd.s32 s6, s8;
	s8 =	sand.u32 $0x1FFFFFF0, s11;
	s11 =	spop (v2sf)  }
0x9b: {  	[tilespmem:s15], [sflag:$0x9] =	stream.linear.gather [hbm4b:s7+s19], $0x40, $0x38;
	(v2sf) =	vpush v1, $0xF;
	[tilespmem:$0x1EF88] =	vst v63  }
0x9c: {  	s7 =	sadd.s32 s6, s8;
	s8 =	sand.u32 $0x1FFFFFF0, s11;
	s11 =	spop (v2sf)  }
0x9d: {  	[tilespmem:s10], [sflag:$0x9] =	stream.linear.gather [hbm4b:s7+s19], $0x40, $0x38;
	[tilespmem:$0x1EF88] =	vst v63  }
0x9e: {  	s7 =	sadd.s32 s6, s8;
	s8 =	sand.u32 $0x1FFFFFF0, s11;
	s10 =	spop (v2sf)  }
0x9f: {  	[tilespmem:s9], [sflag:$0x9] =	stream.linear.gather [hbm4b:s7+s19], $0x40, $0x38;
	[tilespmem:$0x1EF88] =	vst v63  }
0xa0: {  	s7 =	sadd.s32 s6, s8;
	s8 =	sand.u32 $0x1FFFFFF0, s10;
	s9 =	spop (v2sf)  }
0xa1: {  	[tilespmem:s16], [sflag:$0x9] =	stream.linear.gather [hbm4b:s7+s19], $0x40, $0x38;
	[tilespmem:$0x1EF88] =	vst v63  }
0xa2: {  	s7 =	sadd.s32 s6, s8;
	s8 =	sand.u32 $0x1FFFFFF0, s9;
	s9 =	spop (v2sf)  }
0xa3: {  	[tilespmem:s3], [sflag:$0x9] =	stream.linear.gather [hbm4b:s7+s19], $0x40, $0x38;
	[tilespmem:$0x1EF88] =	vst v63  }
0xa4: {  	s3 =	sadd.s32 s6, s8;
	s7 =	sand.u32 $0x1FFFFFF0, s9;
	s8 =	spop (v2sf)  }
0xa5: {  	[tilespmem:s2], [sflag:$0x9] =	stream.linear.gather [hbm4b:s3+s19], $0x40, $0x38;
	[tilespmem:$0x1EF88] =	vst v63  }
0xa6: {  	s2 =	sadd.s32 s6, s7;
	s3 =	sand.u32 $0x1FFFFFF0, s8;
	s7 =	spop (v2sf)  }
0xa7: {  	[tilespmem:s5], [sflag:$0x9] =	stream.linear.gather [hbm4b:s2+s19], $0x40, $0x38;
	[tilespmem:$0x1EF88] =	vst v63  }
0xa8: {  	s2 =	sadd.s32 s6, s3;
	s3 =	sand.u32 $0x1FFFFFF0, s7;
	s5 =	spop (v2sf)  }
0xa9: {  	[tilespmem:s4], [sflag:$0x9] =	stream.linear.gather [hbm4b:s2+s19], $0x40, $0x38;
	[tilespmem:$0x1EF88] =	vst v63  }
0xaa: {  	s2 =	sadd.s32 s6, s3  }
.Ltmp4:
0xab: {  	s3 =	sand.u32 $0x1FFFFFF0, s5;
	s4 =	spop (v2sf);
	(pc) =	sbr.rel @p2 .LBB2_5-.Ltmp4, $4  }
0xac: {  	[tilespmem:s0], [sflag:$0x9] =	stream.linear.gather [hbm4b:s2+s19], $0x40, $0x38;
	[tilespmem:$0x1EF88] =	vst v63  }
0xad: {  	s0 =	sadd.s32 s6, s3;
	s2 =	sadd.s32 $0xFFFFFF80, s30;
	s3 =	sand.u32 $0x1FFFFFF0, s4  }
0xae: {  	[tilespmem:s2], [sflag:$0x9] =	stream.linear.gather [hbm4b:s0+s19], $0x40, $0x38;
	[tilespmem:$0x1EF88] =	vst v63  }
0xaf: {  	s31 =	sadd.s32 $0x10, s31;
	s30 =	sadd.s32 $0x800, s30;
	s2 =	sadd.s32 s6, s3  }
0xb0: {  	[tilespmem:s28], [sflag:$0x9] =	stream.linear.gather [hbm4b:s2+s19], $0x40, $0x38;
	[tilespmem:$0x1EF88] =	vst v63  }
0xb1: {  	s12 =	rddreg [dreg:$0x5]  }
0xb2: {  	s14 =	rddreg [dreg:$0x6]  }
0xb3: {  	s15 =	rddreg [dreg:$0x7]  }
0xb4: {  	s17 =	rddreg [dreg:$0x8]  }
0xb5: {  	s18 =	rddreg [dreg:$0xa]  }
0xb6: {  	s22 =	rddreg [dreg:$0xb]  }
.LBB2_7:
0xb7: {  	p2 =	slt.u32 s25, $0x2  }
.Ltmp5:
0xb8: {  	_ = 	snop;
	(pc) =	sbr.rel @p2 .LBB2_25-.Ltmp5, $1  }
0xb9: {  	_ =	sdelay $0x3  }
0xba: {  	p2 =	sgt.s32 s26, $0x4E0C0;
	s0 =	smov.u32 s26;
	s2 =	sshra.s32 s26, $0x1F  }
0xbb: {  	s0 =	simm.s32 @!p2 $0x4E0C0;
	s2 =	sand.u32 s2, s26  }
0xbc: {  	s0 =	ssub.s32 s0, s2  }
0xbd: {  	s0 =	sadd.s32 $0xFFFB1F40, s0  }
0xbe: {  	s3 =	simm.s32 $0x9;
	s29 =	sshll.u32 s0, $0x2  }
0xbf: {  	_ =	swait.ge [sflag:s3], $0x5000;
	s2 =	ssub.s32 $0x500, s29  }
0xc0: {  	[sflag:s3] =	ssyncset.done $0x0;
	p2 =	sgt.s32 s0, $0x13F;
	s0 =	sshrl.u32 s2, $0x2  }
0xc1: {  	s30 =	simm.s32 $0xB;
	[sflag:s3] =	ssyncadd.s32 $0xFFFFB000;
	s0 =	simm.s32 @p2 $0x0  }
0xc2: {  	_ =	swait.ge [sflag:s30], s0  }
0xc3: {  	s0 =	ssub.s32 $0x0, s0;
	[sflag:s30] =	ssyncset.done $0x0  }
0xc4: {  	[sflag:s30] =	ssyncadd.s32 s0  }
0xc5: {  	v1 =	vld [tilespmem:$0xA108];
	_ =	sdelay $0x4  }
0xc6: {  	(v2sf) =	vpush v1, $0x0  }
0xc7: {  	(v2sf) =	vpush v1, $0x1  }
0xc8: {  	(v2sf) =	vpush v1, $0x2;
	_ =	sdelay $0x3  }
0xc9: {  	s0 =	sadd.s32 $0x140, s26  }
0xca: {  	s4 =	ssub.s32 $0x9C400, s26;
	p2 =	slt.s32 s14, s0  }
0xcb: {  	s0 =	smov.u32 @p2 s14;
	p2 =	sgt.s32 s4, $0x0  }
0xcc: {  	s0 =	ssub.s32 s0, s26;
	s4 =	simm.s32 @!p2 $0x0  }
0xcd: {  	p2 =	slt.s32 s4, s0  }
0xce: {  	s0 =	smov.u32 @p2 s4  }
0xcf: {  	s2 =	simm.s32 $0x1;
	p2 =	slt.s32 s0, $0x1  }
.Ltmp6:
0xd0: {  	s2 =	simm.s32 @!p1 $0x0;
	(pc) =	sbr.rel @p2 .LBB2_12-.Ltmp6, $4  }
0xd1: {  	s7 =	smul.u32 $0x500, s2  }
0xd2: {  	s3 =	spop (v2sf)  }
0xd3: {  	s31 =	sshrl.u32 s7, $0x2;
	s5 =	spop (v2sf)  }
0xd4: {  	s28 =	sadd.s32 $0xAD08, s31;
	s26 =	spop (v2sf)  }
0xd5: {  	s4 =	smin.u32 s0, $0x10  }
0xd6: {  	v1 =	vmov s4  }
0xd7: {  	p3 =	sgt.s32 s0, $0x10;
	vm1 =	vgt.u32 v1, v0  }
.Ltmp7:
0xd8: {  	_ = 	snop;
	(pc) =	sbr.rel @!p3 .LBB2_11-.Ltmp7, $2  }
0xd9: {  	_ =	sdelay $0x2  }
0xda: {  	s9 =	simm.s32 $0x10;
	s10 =	sadd.s32 $0xFFFFFFF0, s0;
	s4 =	smov.u32 s28;
	vm0 =	vmmov vm1  }
.LBB2_10:
0xdb: {  	s7 =	smin.u32 s10, $0x10;
	s9 =	sadd.s32 $0x10, s9;
	v1 =	vld.msk [tilespmem:s4+$0x0 ss:$0x1], vm1  }
0xdc: {  	v2 =	vmov s7;
	p3 =	slt.s32 s9, s0  }
0xdd: {  	vm1 =	vgt.u32 v2, v0  }
.Ltmp8:
0xde: {  	(pc) =	sbr.rel @p3 .LBB2_10-.Ltmp8, $3  }
0xdf: {  	_ =	sdelay $0x1  }
0xe0: {  	v1 =	vshll.u32 v1, $0x4  }
0xe1: {  	s10 =	sadd.s32 $0xFFFFFFF0, s10;
	[tilespmem:s4+$0x0] =	vst.msk vm0, v1;
	s4 =	sadd.s32 $0x10, s4;
	vm0 =	vmmov vm1  }
.LBB2_11:
0xe2: {  	_ =	sdelay $0x4  }
0xe3: {  	v1 =	vld.msk [tilespmem:s4+$0x0 ss:$0x1], vm1;
	_ =	sdelay $0x4  }
0xe4: {  	v1 =	vshll.u32 v1, $0x4  }
0xe5: {  	[tilespmem:s4+$0x0] =	vst.msk vm0, v1  }
.LBB2_12:
0xe6: {  	s4 =	sand.u32 $0x1, s25  }
0xe7: {  	s4 =	smul.u32 $0x140, s4  }
0xe8: {  	p3 =	sne.s32 s5, $0xFFFFFFFF  }
0xe9: {  	v1 =	vld.msk @!p3 [tilespmem:s4+$0xAD08], $0x1;
	_ =	sdelay $0x4  }
0xea: {  	(v2sf) =	vpush @!p3 v1, $0x0;
	_ =	sdelay $0xc  }
.Ltmp9:
0xeb: {  	_ = 	snop;
	(pc) =	sbr.rel @p2 .LBB2_23-.Ltmp9, $4  }
0xec: {  	_ = 	snop  }
0xed: {  	s29 =	spop @!p3 (v2sf)  }
0xee: {  	s31 =	simm.s32 $0xC;
	s26 =	simm.s32 @!p3 $0x0;
	s4 =	smov.u32 s29  }
0xef: {  	[sflag:s31] =	ssyncpa.u1 $0x0;
	s29 =	smov.u32 @p3 s3;
	s4 =	smov.u32 @p3 s5  }
0xf0: {  	v1 =	vld.msk [tilespmem:s28+$0x0], $0x1;
	_ =	sdelay $0x4  }
0xf1: {  	(v2sf) =	vpush v1, $0x0;
	_ =	sdelay $0xe  }
0xf2: {  	s2 =	smul.u32 $0x28000, s2;
	s5 =	spop (v2sf)  }
0xf3: {  	s31 =	ssub.s32 $0x0, s0;
	p2 =	seq.s32 s29, s5  }
0xf4: {  	s3 =	smov.u32 s29;
	s2 =	sshrl.u32 s2, $0x2;
	p3 =	sgt.s32 @!p2 s29, $0x0  }
0xf5: {  	s30 =	sadd.s32 $0xAFA8, s2;
	s2 =	sadd.s32 $0x1, s31;
	p3 =	por !p3, p2  }
0xf6: {  	s3 =	simm.s32 @p3 $0x0;
	p3 =	seq.s32 s2, $0x0  }
.Ltmp10:
0xf7: {  	_ = 	snop;
	(pc) =	sbr.rel @p3 .LBB2_15-.Ltmp10, $4  }
0xf8: {  	_ = 	snop  }
0xf9: {  	s0 =	simm.s32 $0x0;
	s9 =	simm.s32 @!p2 $0x1;
	s3 =	smin.u32 @!p2 s3, $0x270FF8  }
0xfa: {  	s10 =	simm.s32 @!p2 $0x50C8;
	s9 =	smov.u32 @p2 s0;
	s7 =	sand.u32 @!p2 $0x3FFFF8, s3  }
0xfb: {  	s16 =	sand.u32 @!p2 $0x7, s3;
	s3 =	sadd.s32 $0x1, s28;
	s11 =	sadd.s32 @!p2 s1, s7  }
.LBB2_14:
0xfc: {  	s7 =	smov.u32 s9  }
0xfd: {  	[tilespmem:s10], [sflag:$0x2] =	stream.linear.gather @!p2 [hbm4b:s11+s16], $0x40, $0x38;
	[tilespmem:$0x1EF88] =	vst v63  }
0xfe: {  	s2 =	sadd.s32 $0x1, s2;
	s8 =	smov.u32 s5;
	v1 =	vld.msk [tilespmem:s3+$0x0], $0x1  }
0xff: {  	p3 =	seq.s32 s2, $0x0;
	_ =	sdelay $0x3  }
0x100: {  	(v2sf) =	vpush v1, $0x0;
	_ =	sdelay $0xe  }
0x101: {  	s5 =	spop (v2sf)  }
0x102: {  	p2 =	seq.s32 s8, s5  }
0x103: {  	p4 =	sgt.s32 @!p2 s8, $0x0;
	s10 =	sshll.u32 @!p2 s9, $0x8;
	s9 =	sadd.s32 @!p2 $0x1, s9  }
.Ltmp11:
0x104: {  	p4 =	por !p4, p2;
	s10 =	sshra.s32 @!p2 s10, $0x2;
	(pc) =	sbr.rel @!p3 .LBB2_14-.Ltmp11, $4  }
0x105: {  	s9 =	smov.u32 @p2 s7;
	s8 =	simm.s32 @p4 $0x0;
	s10 =	sadd.s32 @!p2 $0x50C8, s10  }
0x106: {  	s7 =	smin.u32 @!p2 s8, $0x270FF8  }
0x107: {  	s8 =	sand.u32 @!p2 $0x3FFFF8, s7;
	s16 =	sand.u32 @!p2 $0x7, s7  }
0x108: {  	s3 =	sadd.s32 $0x1, s3;
	s11 =	sadd.s32 @!p2 s1, s8  }
.LBB2_15:
0x109: {  	[tilespmem:s10], [sflag:$0x2] =	stream.linear.gather @!p2 [hbm4b:s11+s16], $0x40, $0x38;
	[tilespmem:$0x1EF88] =	vst v63  }
.Ltmp12:
0x10a: {  	s2 =	sshll.u32 s9, $0x6;
	(pc) =	sbr.rel .LBB2_16-.Ltmp12, $4  }
0x10b: {  	s3 =	simm.s32 $0x2;
	s2 =	sand.u32 $0x3FFFFFC0, s2  }
0x10c: {  	_ =	swait.ge [sflag:s3], s2  }
0x10d: {  	s2 =	ssub.s32 $0x0, s2;
	[sflag:s3] =	ssyncset.done $0x0  }
0x10e: {  	[sflag:s3] =	ssyncadd.s32 s2;
	s3 =	simm.s32 $0x0  }
.LBB2_17:
0x10f: {  	v1 =	vld [tilespmem:s30+$0xFFFFFFE0];
	_ =	sdelay $0x4  }
0x110: {  	[tilespmem:s5+$0x88] =	vst.add.f32.msk $0xffff, v1  }
0x111: {  	v1 =	vld [tilespmem:s30+$0xFFFFFFF0];
	_ =	sdelay $0x4  }
0x112: {  	[tilespmem:s5+$0x98] =	vst.add.f32.msk $0xffff, v1  }
0x113: {  	v1 =	vld [tilespmem:s30+$0x0];
	_ =	sdelay $0x4  }
0x114: {  	[tilespmem:s5+$0xA8] =	vst.add.f32.msk $0xffff, v1  }
0x115: {  	v1 =	vld [tilespmem:s30+$0x10];
	_ =	sdelay $0x4  }
0x116: {  	[tilespmem:s5+$0xB8] =	vst.add.f32.msk $0xffff, v1  }
.LBB2_21:
0x117: {  	s31 =	sadd.s32 $0x1, s31  }
0x118: {  	p2 =	seq.s32 s31, $0x0  }
.Ltmp13:
0x119: {  	_ = 	snop;
	(pc) =	sbr.rel @p2 .LBB2_22-.Ltmp13, $2  }
0x11a: {  	_ =	sdelay $0x2  }
0x11b: {  	s30 =	sadd.s32 $0x80, s30;
	s28 =	sadd.s32 $0x1, s28;
	s29 =	smov.u32 s2  }
.LBB2_16:
0x11c: {  	v1 =	vld.msk [tilespmem:s28+$0x0], $0x1;
	_ =	sdelay $0x4  }
0x11d: {  	(v2sf) =	vpush v1, $0x0;
	_ =	sdelay $0xe  }
0x11e: {  	s2 =	spop (v2sf)  }
0x11f: {  	p2 =	sne.s32 s29, s2  }
.Ltmp14:
0x120: {  	_ = 	snop;
	(pc) =	sbr.rel @!p2 .LBB2_17-.Ltmp14, $3  }
0x121: {  	_ =	sdelay $0x1  }
0x122: {  	s5 =	sshll.u32 s26, $0x8  }
0x123: {  	s5 =	sshra.s32 s5, $0x2  }
0x124: {  	p2 =	seq.s32 s29, s4  }
.Ltmp15:
0x125: {  	_ = 	snop;
	(pc) =	sbr.rel @!p2 .LBB2_19-.Ltmp15, $1  }
0x126: {  	_ =	sdelay $0x3  }
.Ltmp16:
0x127: {  	s5 =	sadd.s32 $0x88, s5;
	(pc) =	sbr.rel .LBB2_20-.Ltmp16, $4  }
0x128: {  	[spmem:s18] =	stream.linear.scatter [tilespmem:s5], [sflag:$0x1], $0x40, $0x38;
	[tilespmem:$0x1EF88] =	vst v63  }
0x129: {  	_ =	swait.ge [sflag:s13], $0x40  }
0x12a: {  	[sflag:s13] =	ssyncset.done $0x0  }
0x12b: {  	[sflag:s13] =	ssyncadd.s32 $0xFFFFFFC0  }
.LBB2_19:
0x12c: {  	s7 =	sshll.u32 s0, $0x8  }
0x12d: {  	s7 =	sshra.s32 s7, $0x2  }
0x12e: {  	v1 =	vld [tilespmem:s7+$0x50C8];
	_ =	sdelay $0x4  }
0x12f: {  	[tilespmem:s5+$0x88] =	vst.add.f32.msk $0xffff, v1  }
0x130: {  	v1 =	vld [tilespmem:s7+$0x50D8];
	_ =	sdelay $0x4  }
0x131: {  	[tilespmem:s5+$0x98] =	vst.add.f32.msk $0xffff, v1  }
0x132: {  	v1 =	vld [tilespmem:s7+$0x50E8];
	_ =	sdelay $0x4  }
0x133: {  	[tilespmem:s5+$0xA8] =	vst.add.f32.msk $0xffff, v1  }
0x134: {  	v1 =	vld [tilespmem:s7+$0x50F8];
	_ =	sdelay $0x2  }
0x135: {  	p2 =	sgt.u32 s29, $0x270FF8  }
0x136: {  	s7 =	sand.u32 @!p2 $0x3FFFF8, s29  }
0x137: {  	s8 =	sadd.s32 $0x88, s5;
	[tilespmem:s5+$0xB8] =	vst.add.f32.msk $0xffff, v1;
	s5 =	sadd.s32 @!p2 s1, s7;
	s7 =	sand.u32 @!p2 $0x7, s29  }
0x138: {  	[hbm4b:s5+s7] =	stream.linear.scatter @!p2 [tilespmem:s8], [sflag:$0xC], $0x40, $0x38;
	[tilespmem:$0x1EF88] =	vst v63  }
0x139: {  	s5 =	simm.s32 $0x0  }
0x13a: {  	s5 =	simm.s32 @!p2 $0x100  }
0x13b: {  	s3 =	sadd.s32 s5, s3  }
.LBB2_20:
0x13c: {  	s5 =	sadd.s32 $0x1, s26  }
0x13d: {  	s7 =	smulhi.u32 $0xCCCCCCCD, s5;
	_ =	sdelay $0x1  }
0x13e: {  	v1 =	vld [tilespmem:s30+$0xFFFFFFE0];
	s7 =	sshrl.u32 s7, $0x8  }
0x13f: {  	s7 =	smul.u32 $0x140, s7;
	_ =	sdelay $0x1  }
0x140: {  	s26 =	ssub.s32 s5, s7  }
0x141: {  	s5 =	sshll.u32 s26, $0x6  }
0x142: {  	[tilespmem:s5+$0x88] =	vst v1  }
0x143: {  	v1 =	vld [tilespmem:s30+$0xFFFFFFF0];
	_ =	sdelay $0x4  }
0x144: {  	[tilespmem:s5+$0x98] =	vst v1  }
0x145: {  	v1 =	vld [tilespmem:s30+$0x0];
	_ =	sdelay $0x4  }
0x146: {  	[tilespmem:s5+$0xA8] =	vst v1  }
0x147: {  	v1 =	vld [tilespmem:s30+$0x10]  }
.Ltmp17:
0x148: {  	_ = 	snop;
	(pc) =	sbr.rel .LBB2_21-.Ltmp17, $2  }
0x149: {  	_ =	sdelay $0x2  }
0x14a: {  	s0 =	sadd.s32 $0x1, s0;
	[tilespmem:s5+$0xB8] =	vst v1  }
.LBB2_23:
.Ltmp18:
0x14b: {  	(pc) =	sbr.rel .LBB2_24-.Ltmp18, $4  }
0x14c: {  	_ = 	snop  }
0x14d: {  	s0 =	simm.s32 $0x2  }
0x14e: {  	_ =	swait.ge [sflag:s0], $0x0  }
0x14f: {  	s2 =	smov.u32 s29;
	[sflag:s0] =	ssyncset.done $0x0;
	s0 =	simm.s32 $0x0  }
.LBB2_26:
0x150: {  	_ =	sfence.sel $0x180000  }
0x151: {  	s0 =	simm.s32 $0x9;
	[bflag:$0x0] =	sbarrier.arrive $0xFFFF  }
0x152: {  	s24 =	simm.s32 $0xA;
	[sflag:s0] =	ssyncpa.u1 $0x1  }
0x153: {  	s25 =	simm.s32 $0xB;
	[sflag:s24] =	ssyncpa.u1 $0x1  }
0x154: {  	s26 =	simm.s32 $0x2;
	[sflag:s25] =	ssyncpa.u1 $0x1  }
0x155: {  	[sflag:s26] =	ssyncpa.u1 $0x1  }
0x156: {  	v0 =	vld [tilespmem:$0xA108];
	_ =	sdelay $0x4  }
0x157: {  	(v2sf) =	vpush v0, $0x0  }
0x158: {  	(v2sf) =	vpush v0, $0x1;
	_ =	sdelay $0x1  }
0x159: {  	(v2sf) =	vpush v0, $0x2;
	_ =	sdelay $0xb  }
0x15a: {  	s0 =	spop (v2sf)  }
0x15b: {  	s2 =	spop (v2sf)  }
0x15c: {  	s3 =	smov.u32 s0;
	p0 =	sne.s32 s0, s2  }
0x15d: {  	s4 =	spop (v2sf);
	s3 =	simm.s32 @!p0 $0xFFFFFFFF  }
0x15e: {  	v2 =	vimm.s32 $0x1;
	v3 =	vlaneseq.u32;
	p0 =	seq.s32 s4, $0xFFFFFFFF;
	v1 =	vmov s3  }
0x15f: {  	s14 =	stileid.u32;
	v0 =	vperm.xlane v0, v2;
	p1 =	sne.s32 @!p0 s0, s2;
	v1 =	vperm.xlane v1, v3  }
0x160: {  	vm0 =	vcmask $0x3F04;
	s6 =	simm.s32 $0xA108;
	s0 =	simm.s32 @!p0 $0x1;
	p1 =	por !p1, p0  }
0x161: {  	s3 =	sshll.u32 s14, $0x1;
	s2 =	sshll.u32 @!p0 s4, $0x8;
	s0 =	simm.s32 @p1 $0x0;
	v0 =	vsel vm0, v1, v0  }
0x162: {  	s5 =	sor.u32 $0x800, s3;
	s2 =	sshra.s32 @!p0 s2, $0x2;
	s0 =	sor.u32 @!p0 s0, s3;
	[tilespmem:$0xA108] =	vst v0  }
0x163: {  	[spmem:s5] =	stream.linear.scatter [tilespmem:s6], [sflag:$0x1], $0x2, $0x38;
	[tilespmem:$0x1EF88] =	vst v63  }
0x164: {  	s2 =	sadd.s32 @!p0 $0x88, s2;
	s0 =	sshll.u32 @!p0 s0, $0x6  }
0x165: {  	[spmem:s0] =	stream.linear.scatter @!p0 [tilespmem:s2], [sflag:$0x1], $0x40, $0x38;
	[tilespmem:$0x1EF88] =	vst v63  }
0x166: {  	s0 =	simm.s32 @!p0 $0x42  }
0x167: {  	s28 =	simm.s32 $0x1;
	s0 =	simm.s32 @p0 $0x2  }
0x168: {  	_ =	swait.ge [sflag:s28], s0  }
0x169: {  	s0 =	ssub.s32 $0x0, s0;
	[sflag:s28] =	ssyncset.done $0x0  }
0x16a: {  	p0 =	sne.s32 s14, $0x0;
	[sflag:s28] =	ssyncadd.s32 s0  }
.Ltmp19:
0x16b: {  	_ =	sfence.stream.spmem;
	(pc) =	sbr.rel @p0 .LBB2_43-.Ltmp19, $4  }
0x16c: {  	s29 =	simm.s32 $0x3;
	[bflag:$0x0] =	sbarrier.arrive $0xFFFF  }
0x16d: {  	s30 =	simm.s32 $0x4;
	[sflag:s29] =	ssyncpa.u1 $0x1  }
0x16e: {  	s31 =	simm.s32 $0x3C;
	[sflag:s30] =	ssyncpa.u1 $0x1  }
0x16f: {  	s13 =	rddreg [dreg:$0x4];
	[sflag:s31] =	ssyncpa.u1 $0x1  }
0x170: {  	_ =	sfence.stream.spmem;
	s0 =	simm.s32 $0x5  }
0x171: {  	s2 =	simm.s32 $0x800;
	s3 =	simm.s32 $0xA118;
	[sflag:s0] =	ssyncpa.u1 $0x0  }
0x172: {  	[tilespmem:s3], [sflag:$0x5] =	stream.linear.gather [spmem:s2], $0x20, $0x38;
	[tilespmem:$0x1EF88] =	vst v63  }
0x173: {  	s26 =	simm.s32 $0x0;
	s28 =	simm.s32 $0xA138  }
0x174: {  	[tilespmem:s28], [sflag:$0x5] =	stream.linear.gather [spmem:s26], $0x800, $0x38;
	[tilespmem:$0x1EF88] =	vst v63  }
0x175: {  	_ =	swait.ge [sflag:s0], $0x820  }
0x176: {  	[sflag:s0] =	ssyncset.done $0x0  }
0x177: {  	s29 =	simm.s32 $0x0;
	[sflag:s0] =	ssyncadd.s32 $0xFFFFF7E0  }
0x178: {  	v0 =	vld.msk [tilespmem:s29+$0xA118], $0x1;
	_ =	sdelay $0x1  }
0x179: {  	s30 =	simm.s32 $0x1  }
0x17a: {  	v1 =	vld.msk [tilespmem:s30+$0xA118], $0x1;
	_ =	sdelay $0x1  }
0x17b: {  	(v2sf) =	vpush v0, $0x0;
	_ =	sdelay $0x2  }
0x17c: {  	(v2sf) =	vpush v1, $0x0;
	_ =	sdelay $0x2  }
0x17d: {  	s31 =	simm.s32 $0x2  }
0x17e: {  	v0 =	vld.msk [tilespmem:s31+$0xA118], $0x1;
	_ =	sdelay $0x2  }
0x17f: {  	s2 =	simm.s32 $0xFFFFFFFF;
	s3 =	simm.s32 $0xFFFFFFFF;
	s0 =	simm.s32 $0xC  }
.LBB2_28:
0x180: {  	s4 =	smov.u32 s3;
	s5 =	smov.u32 s2  }
0x181: {  	s2 =	sshra.s32 s0, $0x2;
	p1 =	sne.s32 s0, $0x7C;
	s0 =	sadd.s32 $0x4, s0;
	(v2sf) =	vpush v0, $0x0  }
0x182: {  	v0 =	vld.msk [tilespmem:s2+$0xA118], $0x1  }
.Ltmp20:
0x183: {  	(pc) =	sbr.rel @p1 .LBB2_28-.Ltmp20, $4  }
0x184: {  	s3 =	spop (v2sf)  }
0x185: {  	p2 =	sne.s32 s5, $0xFFFFFFFF;
	s2 =	smov.u32 s3  }
0x186: {  	p3 =	seq.s32 s3, $0xFFFFFFFF;
	s2 =	smov.u32 @p2 s5  }
0x187: {  	s3 =	smov.u32 @p3 s4;
	s2 =	smov.u32 @p3 s5  }
0x188: {  	(v2sf) =	vpush v0, $0x0;
	_ =	sdelay $0x8  }
0x189: {  	s0 =	spop (v2sf)  }
0x18a: {  	p1 =	sne.s32 s2, $0xFFFFFFFF;
	s4 =	smov.u32 s0  }
0x18b: {  	s6 =	simm.s32 $0x0;
	p2 =	seq.s32 s0, $0xFFFFFFFF;
	s4 =	smov.u32 @p1 s2  }
0x18c: {  	s9 =	simm.s32 $0xA0C8;
	s4 =	smov.u32 @p2 s2;
	s2 =	spop (v2sf)  }
0x18d: {  	s0 =	smov.u32 @p2 s3;
	p1 =	sne.s32 s4, $0xFFFFFFFF;
	s5 =	smov.u32 s2  }
.Ltmp21:
0x18e: {  	p2 =	seq.s32 s2, $0xFFFFFFFF;
	s5 =	smov.u32 @p1 s4;
	(pc) =	sbr.rel .LBB2_30-.Ltmp21, $4  }
0x18f: {  	s10 =	simm.s32 $0x0;
	s5 =	smov.u32 @p2 s4;
	s7 =	spop (v2sf)  }
0x190: {  	s2 =	smov.u32 @p2 s0;
	p1 =	sne.s32 s5, $0xFFFFFFFF;
	s8 =	smov.u32 s7  }
0x191: {  	s0 =	simm.s32 $0x6;
	p2 =	seq.s32 s7, $0xFFFFFFFF;
	s8 =	smov.u32 @p1 s5  }
0x192: {  	[sflag:s0] =	ssyncpa.u1 $0x0;
	s7 =	smov.u32 @p2 s2;
	s8 =	smov.u32 @p2 s5  }
.LBB2_36:
0x193: {  	p1 =	sgt.u32 s2, $0x270FF8  }
0x194: {  	p2 =	seq.s32 @!p1 s2, s8  }
0x195: {  	p1 =	por p1, p2  }
0x196: {  	p2 =	sne.s32 @!p1 s2, s7  }
0x197: {  	p1 =	por p1, !p2  }
0x198: {  	s2 =	sshll.u32 @p1 s10, $0x8  }
0x199: {  	s3 =	sand.u32 @!p1 $0x3FFFF8, s2  }
0x19a: {  	s2 =	sand.u32 @!p1 $0x7, s2;
	s3 =	sadd.s32 @!p1 s1, s3  }
0x19b: {  	[tilespmem:s9], [sflag:$0x6] =	stream.linear.gather @!p1 [hbm4b:s3+s2], $0x40, $0x38;
	[tilespmem:$0x1EF88] =	vst v63  }
0x19c: {  	_ =	swait.ge @!p1 [sflag:s0], $0x40  }
0x19d: {  	[sflag:s0] =	ssyncset.done @!p1 $0x0  }
0x19e: {  	[sflag:s0] =	ssyncadd.s32 @!p1 $0xFFFFFFC0  }
0x19f: {  	v1 =	vld @!p1 [tilespmem:$0xA0C8];
	_ =	sdelay $0x2  }
0x1a0: {  	s2 =	sshll.u32 @!p1 s10, $0x8  }
0x1a1: {  	s3 =	sshrl.u32 @!p1 s2, $0x2  }
0x1a2: {  	[tilespmem:s3+$0xA138] =	vst.add.f32.msk @!p1 $0xffff, v1  }
0x1a3: {  	v1 =	vld @!p1 [tilespmem:$0xA0D8];
	_ =	sdelay $0x4  }
0x1a4: {  	[tilespmem:s3+$0xA148] =	vst.add.f32.msk @!p1 $0xffff, v1  }
0x1a5: {  	v1 =	vld @!p1 [tilespmem:$0xA0E8];
	_ =	sdelay $0x4  }
0x1a6: {  	[tilespmem:s3+$0xA158] =	vst.add.f32.msk @!p1 $0xffff, v1  }
0x1a7: {  	v1 =	vld @!p1 [tilespmem:$0xA0F8];
	_ =	sdelay $0x4  }
0x1a8: {  	[tilespmem:s3+$0xA168] =	vst.add.f32.msk @!p1 $0xffff, v1  }
0x1a9: {  	s2 =	sshrl.u32 s2, $0x2;
	[tilespmem:s6+$0xA118] =	vst.msk $0x1, v0  }
0x1aa: {  	v0 =	vld [tilespmem:s2+$0xA138];
	_ =	sdelay $0x2  }
0x1ab: {  	s31 =	sshll.u32 s6, $0x8  }
0x1ac: {  	s3 =	sshra.s32 s31, $0x2  }
0x1ad: {  	[tilespmem:s3+$0xA138] =	vst v0  }
0x1ae: {  	v0 =	vld [tilespmem:s2+$0xA148];
	_ =	sdelay $0x4  }
0x1af: {  	[tilespmem:s3+$0xA148] =	vst v0  }
0x1b0: {  	v0 =	vld [tilespmem:s2+$0xA158];
	_ =	sdelay $0x4  }
0x1b1: {  	[tilespmem:s3+$0xA158] =	vst v0  }
0x1b2: {  	v0 =	vld [tilespmem:s2+$0xA168];
	_ =	sdelay $0x4  }
0x1b3: {  	s6 =	sadd.s32 $0x1, s6;
	[tilespmem:s3+$0xA168] =	vst v0  }
.LBB2_37:
0x1b4: {  	s10 =	sadd.s32 $0x1, s10  }
0x1b5: {  	p1 =	sne.s32 s10, $0x20  }
.Ltmp22:
0x1b6: {  	_ = 	snop;
	(pc) =	sbr.rel @!p1 .LBB2_38-.Ltmp22, $1  }
0x1b7: {  	_ =	sdelay $0x3  }
.LBB2_30:
0x1b8: {  	v0 =	vld.msk [tilespmem:s10+$0xA118], $0x1;
	_ =	sdelay $0x4  }
0x1b9: {  	(v2sf) =	vpush v0, $0x0;
	_ =	sdelay $0xe  }
0x1ba: {  	s2 =	spop (v2sf)  }
0x1bb: {  	p1 =	seq.s32 s2, $0xFFFFFFFF  }
.Ltmp23:
0x1bc: {  	_ = 	snop;
	(pc) =	sbr.rel @p1 .LBB2_37-.Ltmp23, $1  }
0x1bd: {  	_ =	sdelay $0x3  }
0x1be: {  	p1 =	slt.s32 s6, $0x1  }
.Ltmp24:
0x1bf: {  	_ = 	snop;
	(pc) =	sbr.rel @p1 .LBB2_36-.Ltmp24, $1  }
0x1c0: {  	_ =	sdelay $0x3  }
0x1c1: {  	s3 =	simm.s32 $0xA118;
	p1 =	por $0x0, $0x0  }
0x1c2: {  	v1 =	vld.msk @!p1 [tilespmem:s3+$0x0], $0x1;
	_ =	sdelay $0x4  }
0x1c3: {  	(v2sf) =	vpush @!p1 v1, $0x0;
	_ =	sdelay $0xd  }
0x1c4: {  	p3 =	sne.s32 s6, $0x1  }
.Ltmp25:
0x1c5: {  	s4 =	spop @!p1 (v2sf);
	(pc) =	sbr.rel @!p3 .LBB2_34-.Ltmp25, $4  }
0x1c6: {  	p2 =	seq.s32 @!p1 s2, s4  }
0x1c7: {  	s4 =	simm.s32 $0x0;
	p2 =	por !p2, p1  }
0x1c8: {  	s11 =	simm.s32 $0xFFFFFFFF;
	s4 =	simm.s32 @p2 $0xFFFFFFFF  }
0x1c9: {  	s5 =	simm.s32 $0x1;
	s4 =	smov.u32 @p1 s11  }
.LBB2_33:
0x1ca: {  	s11 =	smov.u32 s4;
	p1 =	sne.s32 s4, $0xFFFFFFFF  }
0x1cb: {  	s3 =	sadd.s32 $0x1, s3;
	s4 =	smov.u32 s5;
	s5 =	sadd.s32 $0x1, s5  }
0x1cc: {  	p2 =	sne.s32 s6, s5;
	v1 =	vld.msk @!p1 [tilespmem:s3+$0x0], $0x1;
	_ =	sdelay $0x4  }
0x1cd: {  	(v2sf) =	vpush @!p1 v1, $0x0;
	_ =	sdelay $0xe  }
.Ltmp26:
0x1ce: {  	s12 =	spop @!p1 (v2sf);
	(pc) =	sbr.rel @p2 .LBB2_33-.Ltmp26, $4  }
0x1cf: {  	p3 =	seq.s32 @!p1 s2, s12  }
0x1d0: {  	p3 =	por !p3, p1  }
0x1d1: {  	s4 =	simm.s32 @p3 $0xFFFFFFFF  }
0x1d2: {  	s4 =	smov.u32 @p1 s11  }
.LBB2_34:
0x1d3: {  	p1 =	seq.s32 s4, $0xFFFFFFFF  }
.Ltmp27:
0x1d4: {  	_ = 	snop;
	(pc) =	sbr.rel @p1 .LBB2_36-.Ltmp27, $1  }
0x1d5: {  	_ =	sdelay $0x3  }
0x1d6: {  	s2 =	sshll.u32 s10, $0x6  }
0x1d7: {  	s2 =	sand.u32 $0x3FFFFFC0, s2  }
0x1d8: {  	v0 =	vld [tilespmem:s2+$0xA138];
	_ =	sdelay $0x2  }
0x1d9: {  	s3 =	sshll.u32 s4, $0x8  }
0x1da: {  	s3 =	sshra.s32 s3, $0x2  }
0x1db: {  	[tilespmem:s3+$0xA138] =	vst.add.f32.msk $0xffff, v0  }
0x1dc: {  	v0 =	vld [tilespmem:s2+$0xA148];
	_ =	sdelay $0x4  }
0x1dd: {  	[tilespmem:s3+$0xA148] =	vst.add.f32.msk $0xffff, v0  }
0x1de: {  	v0 =	vld [tilespmem:s2+$0xA158];
	_ =	sdelay $0x4  }
0x1df: {  	[tilespmem:s3+$0xA158] =	vst.add.f32.msk $0xffff, v0  }
0x1e0: {  	v0 =	vld [tilespmem:s2+$0xA168]  }
.Ltmp28:
0x1e1: {  	_ = 	snop;
	(pc) =	sbr.rel .LBB2_37-.Ltmp28, $2  }
0x1e2: {  	_ =	sdelay $0x2  }
0x1e3: {  	[tilespmem:s3+$0xA168] =	vst.add.f32.msk $0xffff, v0  }
.LBB2_38:
0x1e4: {  	s0 =	simm.s32 $0x6;
	p1 =	seq.s32 s6, $0x0  }
0x1e5: {  	[sflag:s0] =	ssyncpa.u1 $0x1;
	v0 =	vimm.s32 @p1 $0xFFFFFFFF  }
0x1e6: {  	s0 =	sadd.s32 $0xFFFFFFFF, s6;
	[tilespmem:$0xA938] =	vst @p1 v0  }
0x1e7: {  	v0 =	vld.msk @!p1 [tilespmem:s0+$0xA118], $0x1;
	_ =	sdelay $0x1  }
0x1e8: {  	v1 =	vld.msk @!p1 [tilespmem:$0xA118], $0x1;
	_ =	sdelay $0x2  }
0x1e9: {  	p2 =	seq.s32 @!p1 s0, $0x0;
	v0 =	vbroadcast @!p1 v0, $0x0  }
0x1ea: {  	vm0 =	vmmov @!p1 $0x1;
	p2 =	por !p2, p1  }
0x1eb: {  	v1 =	vnsel @!p1 vm0, $0xFFFFFFFF, v1;
	vm0 =	vcmask @!p1 $0x308;
	v0 =	vpsel !p2, $0xFFFFFFFF, v0  }
0x1ec: {  	p2 =	sne.s32 @!p1 s8, s7;
	v0 =	vsel @!p1 vm0, v1, v0  }
0x1ed: {  	s2 =	simm.s32 @!p1 $0xA138;
	s3 =	simm.s32 @!p1 $0x0;
	p3 =	por !p2, p1;
	[tilespmem:$0xA938] =	vst @!p1 v0  }
0x1ee: {  	[spmem:s3] =	stream.linear.scatter @!p1 [tilespmem:s2], [sflag:$0x1], $0x40, $0x38;
	[tilespmem:$0x1EF88] =	vst v63  }
0x1ef: {  	s2 =	sshll.u32 @!p3 s0, $0x8  }
0x1f0: {  	s2 =	sshra.s32 @!p3 s2, $0x2  }
0x1f1: {  	s3 =	simm.s32 @!p3 $0x40;
	s2 =	sadd.s32 @!p3 $0xA138, s2  }
0x1f2: {  	[spmem:s3] =	stream.linear.scatter @!p3 [tilespmem:s2], [sflag:$0x1], $0x40, $0x38;
	[tilespmem:$0x1EF88] =	vst v63  }
0x1f3: {  	s2 =	simm.s32 @!p3 $0x1  }
0x1f4: {  	_ =	swait.ge @!p3 [sflag:s2], $0x80  }
0x1f5: {  	p1 =	por p2, p1;
	[sflag:s2] =	ssyncset.done @!p3 $0x0  }
0x1f6: {  	[sflag:s2] =	ssyncadd.s32 @!p3 $0xFFFFFF80;
	s2 =	simm.s32 @!p1 $0x1  }
0x1f7: {  	_ =	swait.ge @!p1 [sflag:s2], $0x40  }
0x1f8: {  	s29 =	simm.s32 $0xA938;
	[sflag:s2] =	ssyncset.done @!p1 $0x0  }
0x1f9: {  	s30 =	simm.s32 $0x800;
	s31 =	simm.s32 $0x1;
	[sflag:s2] =	ssyncadd.s32 @!p1 $0xFFFFFFC0  }
0x1fa: {  	[spmem:s30] =	stream.linear.scatter [tilespmem:s29], [sflag:$0x1], $0x10, $0x38;
	[tilespmem:$0x1EF88] =	vst v63  }
0x1fb: {  	_ =	swait.ge [sflag:s31], $0x10  }
0x1fc: {  	[sflag:s31] =	ssyncset.done $0x0  }
0x1fd: {  	p1 =	seq.s32 s13, $0x0;
	s9 =	rddreg [dreg:$0x1];
	[sflag:s31] =	ssyncadd.s32 $0xFFFFFFF0  }
0x1fe: {  	s3 =	sshll.u32 @p1 s9, $0xE;
	s8 =	rddreg [dreg:$0x2]  }
0x1ff: {  	s2 =	sadd.s32 @p1 $0x15C3C, s3;
	s3 =	sshll.u32 @p1 s8, $0x11  }
0x200: {  	_ =	sfence.stream.spmem;
	s2 =	sor.u32 @p1 s3, s2  }
0x201: {  	[sflag:s2] =	ssyncadd.remote.s32 @p1 $0x1;
	s2 =	simm.s32 @p1 $0x4  }
0x202: {  	s4 =	simm.s32 @!p1 $0x3C;
	s3 =	sand.u32 $0xFFFFFFFE, s9;
	_ =	swait.ge @p1 [sflag:s2], $0x12  }
0x203: {  	s5 =	simm.s32 @!p1 $0x0;
	s3 =	sadd.s32 @!p1 $0x4, s3;
	[sflag:s2] =	ssyncset.done @p1 $0x0  }
0x204: {  	s7 =	simm.s32 @!p1 $0x80;
	[sflag:s2] =	ssyncadd.s32 @p1 $0xFFFFFFEE;
	s2 =	sshll.u32 @!p1 s3, $0x1A  }
0x205: {  	s3 =	sshll.u32 @!p1 s3, $0xD;
	s2 =	sor.u32 @!p1 s2, s8;
	_ =	swait.eq @!p1 [sflag:s4], $0x1  }
0x206: {  	s3 =	sor.u32 @!p1 $0x1C04, s3;
	s4 =	simm.s32 @!p1 $0x1C03;
	s2 =	sor.u32 @!p1 $0x80004000, s2  }
0x207: {  	[spmem:s7], [sflag:s3] =	dma.general @!p1 [spmem:s5], [sflag:s4], length:$0x10, [dreg:$0x0], stride_count:$0x0, ici_dest:s2, dma_misc:DstOpCode:WRITE  }
0x208: {  	p2 =	slt.s32 s0, $0x2;
	s5 =	simm.s32 @!p1 $0x100;
	s7 =	simm.s32 @!p1 $0x102  }
0x209: {  	[spmem:s7], [sflag:s3] =	dma.general @!p1 [spmem:s5], [sflag:s4], length:$0x2, [dreg:$0x0], stride_count:$0x0, ici_dest:s2, dma_misc:DstOpCode:WRITE  }
.Ltmp29:
0x20a: {  	s2 =	simm.s32 @!p1 $0x3;
	(pc) =	sbr.rel @p2 .LBB2_42-.Ltmp29, $4  }
0x20b: {  	s3 =	sshll.u32 @!p1 s9, $0xE;
	_ =	swait.ge @!p1 [sflag:s2], $0x12  }
0x20c: {  	s4 =	sshll.u32 @!p1 s8, $0x11;
	s3 =	sadd.s32 @!p1 $0x11C3C, s3;
	[sflag:s2] =	ssyncset.done @!p1 $0x0  }
0x20d: {  	[sflag:s2] =	ssyncadd.s32 @!p1 $0xFFFFFFEE;
	s2 =	sor.u32 @!p1 s4, s3  }
0x20e: {  	s0 =	simm.s32 $0x0;
	[sflag:s2] =	ssyncadd.remote.s32 @!p1 $0xFFFFFFFF  }
0x20f: {  	s0 =	simm.s32 $0xA119  }
0x210: {  	v0 =	vld.msk [tilespmem:s0+$0x0], $0x1;
	_ =	sdelay $0x4  }
0x211: {  	(v2sf) =	vpush v0, $0x0;
	_ =	sdelay $0xc  }
0x212: {  	s2 =	sadd.s32 $0xFFFFFFFE, s6  }
0x213: {  	s2 =	sadd.s32 $0xFFFFFFFF, s2  }
0x214: {  	p2 =	sne.s32 s2, $0x0;
	s3 =	spop (v2sf)  }
.Ltmp30:
0x215: {  	p1 =	sgt.u32 s3, $0x270FF8;
	(pc) =	sbr.rel @!p2 .LBB2_41-.Ltmp30, $4  }
0x216: {  	s5 =	simm.s32 $0x0;
	s4 =	sand.u32 @!p1 $0x3FFFF8, s3  }
0x217: {  	s0 =	simm.s32 $0xA178;
	s3 =	sand.u32 @!p1 $0x7, s3;
	s4 =	sadd.s32 @!p1 s1, s4  }
0x218: {  	[hbm4b:s4+s3] =	stream.linear.scatter @!p1 [tilespmem:s0], [sflag:$0x5], $0x40, $0x38;
	[tilespmem:$0x1EF88] =	vst v63  }
0x219: {  	s5 =	simm.s32 @!p1 $0x100;
	s3 =	simm.s32 $0x0;
	s4 =	simm.s32 $0xA11A  }
.LBB2_40:
0x21a: {  	v0 =	vld.msk [tilespmem:s4+$0x0], $0x1;
	s2 =	sadd.s32 $0xFFFFFFFF, s2;
	s3 =	sadd.s32 s3, s5  }
0x21b: {  	p1 =	sne.s32 s2, $0x0;
	_ =	sdelay $0x3  }
0x21c: {  	(v2sf) =	vpush v0, $0x0;
	_ =	sdelay $0xe  }
.Ltmp31:
0x21d: {  	s6 =	spop (v2sf);
	(pc) =	sbr.rel @p1 .LBB2_40-.Ltmp31, $4  }
0x21e: {  	s5 =	simm.s32 $0x0;
	p2 =	sgt.u32 s6, $0x270FF8  }
0x21f: {  	s0 =	sadd.s32 $0x40, s0;
	s5 =	simm.s32 @!p2 $0x100;
	s7 =	sand.u32 @!p2 $0x3FFFF8, s6  }
0x220: {  	s4 =	sadd.s32 $0x1, s4;
	s6 =	sand.u32 @!p2 $0x7, s6;
	s7 =	sadd.s32 @!p2 s1, s7  }
0x221: {  	[hbm4b:s7+s6] =	stream.linear.scatter @!p2 [tilespmem:s0], [sflag:$0x5], $0x40, $0x38;
	[tilespmem:$0x1EF88] =	vst v63  }
.LBB2_41:
0x222: {  	s0 =	sadd.s32 s3, s5  }
0x223: {  	s0 =	sshrl.u32 s0, $0x2  }
.LBB2_42:
0x224: {  	s2 =	simm.s32 $0x5  }
0x225: {  	_ =	swait.ge [sflag:s2], s0  }
0x226: {  	s31 =	ssub.s32 $0x0, s0;
	[sflag:s2] =	ssyncset.done $0x0  }
0x227: {  	[sflag:s2] =	ssyncadd.s32 s31  }
0x228: {  	[sflag:s2] =	ssyncpa.u1 $0x1  }
.LBB2_43:
0x229: {  	s0 =	sor.u32 s13, s14  }
0x22a: {  	p1 =	sne.s32 s0, $0x0  }
.Ltmp32:
0x22b: {  	_ = 	snop;
	(pc) =	sbr.rel @p1 .LBB2_58-.Ltmp32, $3  }
0x22c: {  	_ =	sdelay $0x1  }
0x22d: {  	[bflag:$0x0] =	sbarrier.arrive $0xFFFF  }
0x22e: {  	_ =	sfence  }
0x22f: {  	s2 =	simm.s32 $0x7  }
0x230: {  	s0 =	simm.s32 $0x800;
	s3 =	simm.s32 $0xA118;
	[sflag:s2] =	ssyncpa.u1 $0x0  }
0x231: {  	[tilespmem:s3], [sflag:$0x7] =	stream.linear.gather [spmem:s0], $0x20, $0x38;
	[tilespmem:$0x1EF88] =	vst v63  }
0x232: {  	s30 =	simm.s32 $0xA138;
	s0 =	simm.s32 $0x0  }
0x233: {  	[tilespmem:s30], [sflag:$0x7] =	stream.linear.gather [spmem:s0], $0x800, $0x38;
	[tilespmem:$0x1EF88] =	vst v63  }
.Ltmp33:
0x234: {  	_ = 	snop;
	(pc) =	sbr.rel .LBB2_45-.Ltmp33, $4  }
0x235: {  	_ =	swait.ge [sflag:s2], $0x820  }
0x236: {  	[sflag:s2] =	ssyncset.done $0x0  }
0x237: {  	s31 =	simm.s32 $0x8;
	[sflag:s2] =	ssyncadd.s32 $0xFFFFF7E0  }
0x238: {  	s2 =	simm.s32 $0x0;
	[sflag:s31] =	ssyncpa.u1 $0x0  }
.LBB2_51:
0x239: {  	p1 =	slt.u32 s3, $0x270FF9  }
0x23a: {  	s4 =	sand.u32 @p1 $0x3FFFF8, s3  }
0x23b: {  	s3 =	sand.u32 @p1 $0x7, s3;
	s5 =	simm.s32 @p1 $0xA0C8;
	s4 =	sadd.s32 @p1 s1, s4  }
0x23c: {  	[tilespmem:s5], [sflag:$0x8] =	stream.linear.gather @p1 [hbm4b:s4+s3], $0x40, $0x38;
	[tilespmem:$0x1EF88] =	vst v63  }
0x23d: {  	s3 =	simm.s32 @p1 $0x8  }
0x23e: {  	_ =	swait.ge @p1 [sflag:s3], $0x40  }
0x23f: {  	[sflag:s3] =	ssyncset.done @p1 $0x0  }
0x240: {  	[sflag:s3] =	ssyncadd.s32 @p1 $0xFFFFFFC0  }
0x241: {  	v1 =	vld @p1 [tilespmem:$0xA0C8];
	_ =	sdelay $0x2  }
0x242: {  	s3 =	sshll.u32 @p1 s2, $0x8  }
0x243: {  	s4 =	sshrl.u32 @p1 s3, $0x2  }
0x244: {  	[tilespmem:s4+$0xA138] =	vst.add.f32.msk @p1 $0xffff, v1  }
0x245: {  	v1 =	vld @p1 [tilespmem:$0xA0D8];
	_ =	sdelay $0x4  }
0x246: {  	[tilespmem:s4+$0xA148] =	vst.add.f32.msk @p1 $0xffff, v1  }
0x247: {  	v1 =	vld @p1 [tilespmem:$0xA0E8];
	_ =	sdelay $0x4  }
0x248: {  	[tilespmem:s4+$0xA158] =	vst.add.f32.msk @p1 $0xffff, v1  }
0x249: {  	v1 =	vld @p1 [tilespmem:$0xA0F8];
	_ =	sdelay $0x3  }
0x24a: {  	s5 =	sshll.u32 @!p1 s2, $0x8  }
0x24b: {  	s5 =	smov.u32 @p1 s3;
	[tilespmem:s4+$0xA168] =	vst.add.f32.msk @p1 $0xffff, v1  }
0x24c: {  	s3 =	sshrl.u32 s5, $0x2;
	[tilespmem:s0+$0xA118] =	vst.msk $0x1, v0  }
0x24d: {  	v0 =	vld [tilespmem:s3+$0xA138];
	_ =	sdelay $0x2  }
0x24e: {  	s31 =	sshll.u32 s0, $0x8  }
0x24f: {  	s4 =	sshra.s32 s31, $0x2  }
0x250: {  	[tilespmem:s4+$0xA138] =	vst v0  }
0x251: {  	v0 =	vld [tilespmem:s3+$0xA148];
	_ =	sdelay $0x4  }
0x252: {  	[tilespmem:s4+$0xA148] =	vst v0  }
0x253: {  	v0 =	vld [tilespmem:s3+$0xA158];
	_ =	sdelay $0x4  }
0x254: {  	[tilespmem:s4+$0xA158] =	vst v0  }
0x255: {  	v0 =	vld [tilespmem:s3+$0xA168];
	_ =	sdelay $0x4  }
0x256: {  	s0 =	sadd.s32 $0x1, s0;
	[tilespmem:s4+$0xA168] =	vst v0  }
.LBB2_52:
0x257: {  	s2 =	sadd.s32 $0x1, s2  }
0x258: {  	p1 =	sne.s32 s2, $0x20  }
.Ltmp34:
0x259: {  	_ = 	snop;
	(pc) =	sbr.rel @!p1 .LBB2_53-.Ltmp34, $1  }
0x25a: {  	_ =	sdelay $0x3  }
.LBB2_45:
0x25b: {  	v0 =	vld.msk [tilespmem:s2+$0xA118], $0x1;
	_ =	sdelay $0x4  }
0x25c: {  	(v2sf) =	vpush v0, $0x0;
	_ =	sdelay $0xe  }
0x25d: {  	s3 =	spop (v2sf)  }
0x25e: {  	p1 =	seq.s32 s3, $0xFFFFFFFF  }
.Ltmp35:
0x25f: {  	_ = 	snop;
	(pc) =	sbr.rel @p1 .LBB2_52-.Ltmp35, $1  }
0x260: {  	_ =	sdelay $0x3  }
0x261: {  	p1 =	slt.s32 s0, $0x1  }
.Ltmp36:
0x262: {  	_ = 	snop;
	(pc) =	sbr.rel @p1 .LBB2_51-.Ltmp36, $1  }
0x263: {  	_ =	sdelay $0x3  }
0x264: {  	s4 =	simm.s32 $0xA118;
	p1 =	por $0x0, $0x0  }
0x265: {  	v1 =	vld.msk @!p1 [tilespmem:s4+$0x0], $0x1;
	_ =	sdelay $0x4  }
0x266: {  	(v2sf) =	vpush @!p1 v1, $0x0;
	_ =	sdelay $0xd  }
0x267: {  	p3 =	sne.s32 s0, $0x1  }
.Ltmp37:
0x268: {  	s5 =	spop @!p1 (v2sf);
	(pc) =	sbr.rel @!p3 .LBB2_49-.Ltmp37, $4  }
0x269: {  	p2 =	seq.s32 @!p1 s3, s5  }
0x26a: {  	s5 =	simm.s32 $0x0;
	p2 =	por !p2, p1  }
0x26b: {  	s7 =	simm.s32 $0xFFFFFFFF;
	s5 =	simm.s32 @p2 $0xFFFFFFFF  }
0x26c: {  	s6 =	simm.s32 $0x1;
	s5 =	smov.u32 @p1 s7  }
.LBB2_48:
0x26d: {  	s7 =	smov.u32 s5;
	p1 =	sne.s32 s5, $0xFFFFFFFF  }
0x26e: {  	s4 =	sadd.s32 $0x1, s4;
	s5 =	smov.u32 s6;
	s6 =	sadd.s32 $0x1, s6  }
0x26f: {  	p2 =	sne.s32 s0, s6;
	v1 =	vld.msk @!p1 [tilespmem:s4+$0x0], $0x1;
	_ =	sdelay $0x4  }
0x270: {  	(v2sf) =	vpush @!p1 v1, $0x0;
	_ =	sdelay $0xe  }
.Ltmp38:
0x271: {  	s8 =	spop @!p1 (v2sf);
	(pc) =	sbr.rel @p2 .LBB2_48-.Ltmp38, $4  }
0x272: {  	p3 =	seq.s32 @!p1 s3, s8  }
0x273: {  	p3 =	por !p3, p1  }
0x274: {  	s5 =	simm.s32 @p3 $0xFFFFFFFF  }
0x275: {  	s5 =	smov.u32 @p1 s7  }
.LBB2_49:
0x276: {  	p1 =	seq.s32 s5, $0xFFFFFFFF  }
.Ltmp39:
0x277: {  	_ = 	snop;
	(pc) =	sbr.rel @p1 .LBB2_51-.Ltmp39, $1  }
0x278: {  	_ =	sdelay $0x3  }
0x279: {  	s3 =	sshll.u32 s2, $0x6  }
0x27a: {  	s3 =	sand.u32 $0x3FFFFFC0, s3  }
0x27b: {  	v0 =	vld [tilespmem:s3+$0xA138];
	_ =	sdelay $0x2  }
0x27c: {  	s4 =	sshll.u32 s5, $0x8  }
0x27d: {  	s4 =	sshra.s32 s4, $0x2  }
0x27e: {  	[tilespmem:s4+$0xA138] =	vst.add.f32.msk $0xffff, v0  }
0x27f: {  	v0 =	vld [tilespmem:s3+$0xA148];
	_ =	sdelay $0x4  }
0x280: {  	[tilespmem:s4+$0xA148] =	vst.add.f32.msk $0xffff, v0  }
0x281: {  	v0 =	vld [tilespmem:s3+$0xA158];
	_ =	sdelay $0x4  }
0x282: {  	[tilespmem:s4+$0xA158] =	vst.add.f32.msk $0xffff, v0  }
0x283: {  	v0 =	vld [tilespmem:s3+$0xA168]  }
.Ltmp40:
0x284: {  	_ = 	snop;
	(pc) =	sbr.rel .LBB2_52-.Ltmp40, $2  }
0x285: {  	_ =	sdelay $0x2  }
0x286: {  	[tilespmem:s4+$0xA168] =	vst.add.f32.msk $0xffff, v0  }
.LBB2_53:
0x287: {  	p1 =	slt.s32 s0, $0x1  }
.Ltmp41:
0x288: {  	_ = 	snop;
	(pc) =	sbr.rel @p1 .LBB2_57-.Ltmp41, $3  }
0x289: {  	_ =	sdelay $0x1  }
0x28a: {  	s2 =	simm.s32 $0x8  }
0x28b: {  	[sflag:s2] =	ssyncpa.u1 $0x1;
	s2 =	simm.s32 $0x0  }
0x28c: {  	s3 =	simm.s32 $0xA118  }
0x28d: {  	v0 =	vld.msk [tilespmem:s3+$0x0], $0x1;
	_ =	sdelay $0x4  }
0x28e: {  	(v2sf) =	vpush v0, $0x0;
	_ =	sdelay $0xe  }
0x28f: {  	s0 =	sadd.s32 $0xFFFFFFFF, s0;
	s4 =	spop (v2sf)  }
0x290: {  	p2 =	sne.s32 s0, $0x0;
	p1 =	sgt.u32 s4, $0x270FF8  }
.Ltmp42:
0x291: {  	s5 =	sand.u32 @!p1 $0x3FFFF8, s4;
	(pc) =	sbr.rel @!p2 .LBB2_56-.Ltmp42, $4  }
0x292: {  	s3 =	simm.s32 $0xA138;
	s4 =	sand.u32 @!p1 $0x7, s4;
	s5 =	sadd.s32 @!p1 s1, s5  }
0x293: {  	[hbm4b:s5+s4] =	stream.linear.scatter @!p1 [tilespmem:s3], [sflag:$0x7], $0x40, $0x38;
	[tilespmem:$0x1EF88] =	vst v63  }
0x294: {  	s5 =	simm.s32 $0x0  }
0x295: {  	s4 =	simm.s32 $0xA119;
	s5 =	simm.s32 @!p1 $0x100  }
.LBB2_55:
0x296: {  	v0 =	vld.msk [tilespmem:s4+$0x0], $0x1;
	s0 =	sadd.s32 $0xFFFFFFFF, s0;
	s2 =	sadd.s32 s2, s5  }
0x297: {  	p1 =	sne.s32 s0, $0x0;
	_ =	sdelay $0x3  }
0x298: {  	(v2sf) =	vpush v0, $0x0;
	_ =	sdelay $0xe  }
.Ltmp43:
0x299: {  	s6 =	spop (v2sf);
	(pc) =	sbr.rel @p1 .LBB2_55-.Ltmp43, $4  }
0x29a: {  	s5 =	simm.s32 $0x0;
	p2 =	sgt.u32 s6, $0x270FF8  }
0x29b: {  	s3 =	sadd.s32 $0x40, s3;
	s5 =	simm.s32 @!p2 $0x100;
	s7 =	sand.u32 @!p2 $0x3FFFF8, s6  }
0x29c: {  	s4 =	sadd.s32 $0x1, s4;
	s6 =	sand.u32 @!p2 $0x7, s6;
	s7 =	sadd.s32 @!p2 s1, s7  }
0x29d: {  	[hbm4b:s7+s6] =	stream.linear.scatter @!p2 [tilespmem:s3], [sflag:$0x7], $0x40, $0x38;
	[tilespmem:$0x1EF88] =	vst v63  }
.LBB2_56:
0x29e: {  	s0 =	sadd.s32 s2, s5  }
0x29f: {  	s2 =	sshrl.u32 s0, $0x2  }
.LBB2_57:
0x2a0: {  	s0 =	simm.s32 $0x7  }
0x2a1: {  	_ =	swait.ge [sflag:s0], s2  }
0x2a2: {  	s1 =	ssub.s32 $0x0, s2;
	[sflag:s0] =	ssyncset.done $0x0  }
0x2a3: {  	[sflag:s0] =	ssyncadd.s32 s1  }
0x2a4: {  	[sflag:s0] =	ssyncpa.u1 $0x1  }
.LBB2_58:
0x2a5: {  	_ =	sfence;
	s0 =	simm.s32 $0x1  }
0x2a6: {  	[sflag:s0] =	ssyncpa.u1 $0x1  }
0x2a7: {  	_ =	strace $0x9000004A  }
0x2a8: {  	[bflag:$0x2] =	sbarrier.arrive $0xFFFF  }
0x2a9: {  	s0 =	rddreg [dreg:$0x3]  }
0x2aa: {  	s0 =	sadd.s32 @!p0 $0x100000, s0  }
0x2ab: {  	[sflag:s0] =	ssyncadd.tile.s32 @!p0 $0x1;
	_ =	shalt  }
.Lfunc_end2:
_tile_overlayer_lowered:
.L_overlay_start_2:
0x2ac: {  	(tag) =	ssettag $0x2  }
0x2ad: {  	s0 =	rddreg [dreg:$0x0];
	s2 =	stileid.u32  }
0x2ae: {  	s1 =	rddreg [dreg:$0x1];
	p0 =	sne.s32 s2, $0x0  }
0x2af: {  	s3 =	rddreg [dreg:$0x2];
	[bflag:$0x3] =	sbarrier.arrive $0xFFFF;
	s2 =	simm.s32 @!p0 $0x1C01  }
0x2b0: {  	[timem:s3], [sflag:s2] =	dma.local @!p0 [hbm:s0], s1  }
0x2b1: {  	s0 =	simm.s32 @!p0 $0x1  }
0x2b2: {  	_ =	swait.ge @!p0 [sflag:s0], s1  }
0x2b3: {  	s1 =	ssub.s32 @!p0 $0x0, s1;
	[sflag:s0] =	ssyncset.done @!p0 $0x0  }
0x2b4: {  	[sflag:s0] =	ssyncadd.s32 @!p0 s1  }
0x2b5: {  	[bflag:$0x3] =	sbarrier.arrive $0xFFFF  }
0x2b6: {  	_ =	shalt  }

</sc_bundles>
